<compile_context>
chip_gen: v7x
topology: tpu7x:2x2x1
jax: 0.10.2.dev20260603
libtpu: 0.0.44.dev20260713+nightly
codegen_flags: <defaults>
</compile_context>

<pallas_src>
import functools

import jax
import jax.numpy as jnp
from jax import lax
from jax.experimental import pallas as pl
from jax.experimental.pallas import tpu as pltpu, tpu_sc as plsc

NC, NS, L = 2, 16, 16
NW = NC * NS


@functools.lru_cache(maxsize=None)
def _make_sc_gather(B, T, V, D):
    assert B % NW == 0 and T % 2 == 0
    rows_w = B // NW
    flat_w = rows_w * T
    CH = 128
    assert flat_w % CH == 0
    nch = flat_w // CH
    assert nch % 2 == 0
    pair_sz = 2 * T
    nslice = pair_sz // L
    half = (T % L)
    assert T // L * L + half == T and 0 < half < L

    mesh = plsc.VectorSubcoreMesh(core_axis_name="c", subcore_axis_name="s")

    @functools.partial(
        pl.kernel,
        out_type=jax.ShapeDtypeStruct((B * T, D), jnp.float32),
        mesh=mesh,
        scratch_types=[
            pltpu.VMEM((flat_w,), jnp.int32),
            pltpu.VMEM((CH, D), jnp.float32),
            pltpu.VMEM((CH, D), jnp.float32),
            pltpu.SemaphoreType.DMA,
            pltpu.SemaphoreType.DMA,
        ],
    )
    def sc_gather(vco_hbm, table_hbm, out_hbm, idx_v, buf_a, buf_b, sem_a, sem_b):
        wid = lax.axis_index("s") * NC + lax.axis_index("c")
        fbase = wid * flat_w
        pltpu.sync_copy(vco_hbm.at[pl.ds(fbase, flat_w)], idx_v)

        lane = lax.iota(jnp.int32, L)
        intmax = jnp.int32(2**31 - 1)
        jmid = T // L

        gdn = lax.GatherDimensionNumbers(
            offset_dims=(), collapsed_slice_dims=(0,), start_index_map=(0,))

        def shuffle(v, idx):
            return lax.gather(
                v, idx[:, None], dimension_numbers=gdn, slice_sizes=(1,),
                mode=lax.GatherScatterMode.PROMISE_IN_BOUNDS)

        def bcast_min(v):
            for s in (8, 4, 2, 1):
                v = jnp.minimum(v, shuffle(v, lane ^ s))
            return v

        def pair_body(p, carry):
            off = p * pair_sz
            vs = [idx_v[pl.ds(off + L * j, L)] for j in range(nslice)]
            mid_a = jnp.where(lane < half, vs[jmid], intmax)
            mid_b = jnp.where(lane >= half, vs[jmid], intmax)
            acc_a = mid_a
            for j in range(jmid):
                acc_a = jnp.minimum(acc_a, vs[j])
            acc_b = mid_b
            for j in range(jmid + 1, nslice):
                acc_b = jnp.minimum(acc_b, vs[j])
            min_a = bcast_min(acc_a)
            min_b = bcast_min(acc_b)
            for j in range(jmid):
                idx_v[pl.ds(off + L * j, L)] = vs[j] - min_a
            mid_m = jnp.where(lane < half, min_a, min_b)
            idx_v[pl.ds(off + L * jmid, L)] = vs[jmid] - mid_m
            for j in range(jmid + 1, nslice):
                idx_v[pl.ds(off + L * j, L)] = vs[j] - min_b
            return carry

        lax.fori_loop(0, rows_w // 2, pair_body, 0)

        def gather(c, buf, sem):
            return pltpu.async_copy(
                table_hbm.at[idx_v.at[pl.ds(c * CH, CH)]], buf, sem)

        def wait(c, buf, sem):
            pltpu.make_async_copy(
                table_hbm.at[idx_v.at[pl.ds(c * CH, CH)]], buf, sem).wait()

        def flush(c, buf):
            pltpu.sync_copy(buf, out_hbm.at[pl.ds(fbase + c * CH, CH)])

        gather(0, buf_a, sem_a)

        def g_body(i, carry):
            c0 = 2 * i
            gather(c0 + 1, buf_b, sem_b)
            wait(c0, buf_a, sem_a)
            flush(c0, buf_a)

            @pl.when(c0 + 2 < nch)
            def _():
                gather(c0 + 2, buf_a, sem_a)

            wait(c0 + 1, buf_b, sem_b)
            flush(c0 + 1, buf_b)
            return carry

        lax.fori_loop(0, nch // 2, g_body, 0)

    return sc_gather


def kernel(visit_concept_orders, pos_encoding):
    B, T = visit_concept_orders.shape
    V, D = pos_encoding.shape
    vco_flat = visit_concept_orders.reshape(B * T)
    fn = _make_sc_gather(B, T, V, D)
    out = fn(vco_flat, pos_encoding)
    return out.reshape(B, T, D)

# --- scband reference (transcript-rebuilt; emitter-appended) ---
"""Pipeline reference for scband-positional-encoding-layer-25348896981000 (READ-ONLY COPY).

The authoritative reference and input builder live on the scoring server;
editing this copy changes nothing except your own understanding.
"""

import jax, jax.numpy as jnp
import numpy as np


def _positional_encoding(position, d_model):
    pos = np.arange(position)[:, np.newaxis]
    i = np.arange(d_model)[np.newaxis, :]
    angle_rates = 1.0 / np.power(10000, 2 * (i // 2) / np.float32(d_model))
    angle_rads = pos * angle_rates
    angle_rads[:, 0::2] = np.sin(angle_rads[:, 0::2])
    angle_rads[:, 1::2] = np.cos(angle_rads[:, 1::2])
    return jnp.asarray(angle_rads, dtype=jnp.float32)


def setup_inputs(seed: int = 0) -> dict:
    key = jax.random.key(seed)
    batch, hist_len = 4096, 200
    embedding_size = 128
    visit_concept_orders = jax.random.randint(key, (batch, hist_len), 0, 10000)
    # Constant (non-trainable) sinusoidal table built in __init__: shape [10000, embedding_size]
    pos_encoding = _positional_encoding(10000, embedding_size)
    return {"visit_concept_orders": visit_concept_orders, "pos_encoding": pos_encoding}


def reference(visit_concept_orders, pos_encoding):
    # tf.reduce_min(..., axis=-1)[..., newaxis]
    mins = jnp.min(visit_concept_orders, axis=-1, keepdims=True)
    orders = jnp.abs(visit_concept_orders - mins)
    # tf.gather(pos_encoding, orders, axis=0)
    positional_embeddings = jnp.take(pos_encoding, orders, axis=0)
    return positional_embeddings

if __name__ == "__main__":
    import jax
    _d = setup_inputs()
    print(jax.jit(kernel)(*tuple(_d.values())))

</pallas_src>

<mosaic_0001>
#map = affine_map<(d0, d1) -> (0)>
#map1 = affine_map<(d0, d1) -> (0, 0)>
module attributes {stable_mosaic.version = 14 : i64} {
  func.func @sc_gather(%arg0: i32, %arg1: i32, %arg2: memref<819200xi32, #tpu.memory_space<hbm>>, %arg3: memref<10000x128xf32, #tpu.memory_space<hbm>>, %arg4: memref<819200x128xf32, #tpu.memory_space<hbm>>, %arg5: memref<25600xi32, #tpu.memory_space<vmem>>, %arg6: memref<128x128xf32, #tpu.memory_space<vmem>>, %arg7: memref<128x128xf32, #tpu.memory_space<vmem>>, %arg8: memref<!tpu.dma_semaphore, #tpu.memory_space<semaphore_mem>>, %arg9: memref<!tpu.dma_semaphore, #tpu.memory_space<semaphore_mem>>) attributes {dimension_semantics = [#tpu.dimension_semantics<core_parallel>, #tpu.dimension_semantics<subcore_parallel>], iteration_bounds = array<i64: 2, 16>, scalar_prefetch = 0 : i64, scratch_operands = 5 : i64, tpu.core_type = #tpu.core_type<sc_vector_subcore>, window_params = [{transform_indices = #map}, {transform_indices = #map1}, {transform_indices = #map1}]} {
    %mul3A = arith.constant 2 : i32
    %mul3A_0 = arith.muli %arg1, %mul3A : i32
    %add3A = arith.addi %mul3A_0, %arg0 : i32
    %mul3A_1 = arith.constant 25600 : i32
    %mul3A_2 = arith.muli %add3A, %mul3A_1 : i32
    "tpu.region"() ({
      %run_scoped3A = tpu.sem_alloc : memref<!tpu.dma_semaphore, #tpu.memory_space<semaphore_mem>>
      %dma_start3A_19 = tpu.memref_slice %arg2[%mul3A_2] : memref<819200xi32, #tpu.memory_space<hbm>> -> memref<25600xi32, #tpu.memory_space<hbm>>
      %dma_start3A_20 = tpu.memref_slice %arg2[%mul3A_2] : memref<819200xi32, #tpu.memory_space<hbm>> -> memref<25600xi32, #tpu.memory_space<hbm>>
      tpu.enqueue_dma source(%dma_start3A_20 : memref<25600xi32, #tpu.memory_space<hbm>>) target(%arg5 : memref<25600xi32, #tpu.memory_space<vmem>>) target_semaphore(%run_scoped3A : memref<!tpu.dma_semaphore, #tpu.memory_space<semaphore_mem>>)
      %dma_wait3A = tpu.memref_slice %arg2[%mul3A_2] : memref<819200xi32, #tpu.memory_space<hbm>> -> memref<25600xi32, #tpu.memory_space<hbm>>
      %dma_wait3A_21 = tpu.memref_slice %arg2[%mul3A_2] : memref<819200xi32, #tpu.memory_space<hbm>> -> memref<25600xi32, #tpu.memory_space<hbm>>
      tpu.wait_dma2 semaphore(%run_scoped3A : memref<!tpu.dma_semaphore, #tpu.memory_space<semaphore_mem>>) src(%dma_wait3A_21 : memref<25600xi32, #tpu.memory_space<hbm>>) dst(%arg5 : memref<25600xi32, #tpu.memory_space<vmem>>)
      tpu.yield
    }) : () -> ()
    %iota3A = tpu.iota {dimensions = array<i32: 0>} : vector<16xi32>
    %scan3A = arith.constant 0 : i32
    %scan3A_3 = arith.constant 2147483647 : i32
    %scan3A_4 = arith.constant 0 : i32
    %scan3A_5 = arith.constant 64 : i32
    %scan3A_6 = arith.addi %scan3A_4, %scan3A_5 : i32
    %scan3A_7 = arith.constant 1 : i32
    scf.for %scan3A_19 = %scan3A_4 to %scan3A_6 step %scan3A_7  : i32 {
      %mul3A_20 = arith.constant 400 : i32
      %mul3A_21 = arith.muli %scan3A_19, %mul3A_20 : i32
      %add3A_22 = arith.constant 0 : i32
      %add3A_23 = arith.addi %mul3A_21, %add3A_22 : i32
      %get3A = arith.index_cast %add3A_23 : i32 to index
      %get3A_24 = tpu.vector_load %arg5[%get3A] {strides = array<i32>} : memref<25600xi32, #tpu.memory_space<vmem>>, vector<16xi32>,
      %get3A_25 = vector.shape_cast %get3A_24 : vector<16xi32> to vector<16xi32>
      %add3A_26 = arith.constant 16 : i32
      %add3A_27 = arith.addi %mul3A_21, %add3A_26 : i32
      %get3A_28 = arith.index_cast %add3A_27 : i32 to index
      %get3A_29 = tpu.vector_load %arg5[%get3A_28] {strides = array<i32>} : memref<25600xi32, #tpu.memory_space<vmem>>, vector<16xi32>,
      %get3A_30 = vector.shape_cast %get3A_29 : vector<16xi32> to vector<16xi32>
      %add3A_31 = arith.constant 32 : i32
      %add3A_32 = arith.addi %mul3A_21, %add3A_31 : i32
      %get3A_33 = arith.index_cast %add3A_32 : i32 to index
      %get3A_34 = tpu.vector_load %arg5[%get3A_33] {strides = array<i32>} : memref<25600xi32, #tpu.memory_space<vmem>>, vector<16xi32>,
      %get3A_35 = vector.shape_cast %get3A_34 : vector<16xi32> to vector<16xi32>
      %add3A_36 = arith.constant 48 : i32
      %add3A_37 = arith.addi %mul3A_21, %add3A_36 : i32
      %get3A_38 = arith.index_cast %add3A_37 : i32 to index
      %get3A_39 = tpu.vector_load %arg5[%get3A_38] {strides = array<i32>} : memref<25600xi32, #tpu.memory_space<vmem>>, vector<16xi32>,
      %get3A_40 = vector.shape_cast %get3A_39 : vector<16xi32> to vector<16xi32>
      %add3A_41 = arith.constant 64 : i32
      %add3A_42 = arith.addi %mul3A_21, %add3A_41 : i32
      %get3A_43 = arith.index_cast %add3A_42 : i32 to index
      %get3A_44 = tpu.vector_load %arg5[%get3A_43] {strides = array<i32>} : memref<25600xi32, #tpu.memory_space<vmem>>, vector<16xi32>,
      %get3A_45 = vector.shape_cast %get3A_44 : vector<16xi32> to vector<16xi32>
      %add3A_46 = arith.constant 80 : i32
      %add3A_47 = arith.addi %mul3A_21, %add3A_46 : i32
      %get3A_48 = arith.index_cast %add3A_47 : i32 to index
      %get3A_49 = tpu.vector_load %arg5[%get3A_48] {strides = array<i32>} : memref<25600xi32, #tpu.memory_space<vmem>>, vector<16xi32>,
      %get3A_50 = vector.shape_cast %get3A_49 : vector<16xi32> to vector<16xi32>
      %add3A_51 = arith.constant 96 : i32
      %add3A_52 = arith.addi %mul3A_21, %add3A_51 : i32
      %get3A_53 = arith.index_cast %add3A_52 : i32 to index
      %get3A_54 = tpu.vector_load %arg5[%get3A_53] {strides = array<i32>} : memref<25600xi32, #tpu.memory_space<vmem>>, vector<16xi32>,
      %get3A_55 = vector.shape_cast %get3A_54 : vector<16xi32> to vector<16xi32>
      %add3A_56 = arith.constant 112 : i32
      %add3A_57 = arith.addi %mul3A_21, %add3A_56 : i32
      %get3A_58 = arith.index_cast %add3A_57 : i32 to index
      %get3A_59 = tpu.vector_load %arg5[%get3A_58] {strides = array<i32>} : memref<25600xi32, #tpu.memory_space<vmem>>, vector<16xi32>,
      %get3A_60 = vector.shape_cast %get3A_59 : vector<16xi32> to vector<16xi32>
      %add3A_61 = arith.constant 128 : i32
      %add3A_62 = arith.addi %mul3A_21, %add3A_61 : i32
      %get3A_63 = arith.index_cast %add3A_62 : i32 to index
      %get3A_64 = tpu.vector_load %arg5[%get3A_63] {strides = array<i32>} : memref<25600xi32, #tpu.memory_space<vmem>>, vector<16xi32>,
      %get3A_65 = vector.shape_cast %get3A_64 : vector<16xi32> to vector<16xi32>
      %add3A_66 = arith.constant 144 : i32
      %add3A_67 = arith.addi %mul3A_21, %add3A_66 : i32
      %get3A_68 = arith.index_cast %add3A_67 : i32 to index
      %get3A_69 = tpu.vector_load %arg5[%get3A_68] {strides = array<i32>} : memref<25600xi32, #tpu.memory_space<vmem>>, vector<16xi32>,
      %get3A_70 = vector.shape_cast %get3A_69 : vector<16xi32> to vector<16xi32>
      %add3A_71 = arith.constant 160 : i32
      %add3A_72 = arith.addi %mul3A_21, %add3A_71 : i32
      %get3A_73 = arith.index_cast %add3A_72 : i32 to index
      %get3A_74 = tpu.vector_load %arg5[%get3A_73] {strides = array<i32>} : memref<25600xi32, #tpu.memory_space<vmem>>, vector<16xi32>,
      %get3A_75 = vector.shape_cast %get3A_74 : vector<16xi32> to vector<16xi32>
      %add3A_76 = arith.constant 176 : i32
      %add3A_77 = arith.addi %mul3A_21, %add3A_76 : i32
      %get3A_78 = arith.index_cast %add3A_77 : i32 to index
      %get3A_79 = tpu.vector_load %arg5[%get3A_78] {strides = array<i32>} : memref<25600xi32, #tpu.memory_space<vmem>>, vector<16xi32>,
      %get3A_80 = vector.shape_cast %get3A_79 : vector<16xi32> to vector<16xi32>
      %add3A_81 = arith.constant 192 : i32
      %add3A_82 = arith.addi %mul3A_21, %add3A_81 : i32
      %get3A_83 = arith.index_cast %add3A_82 : i32 to index
      %get3A_84 = tpu.vector_load %arg5[%get3A_83] {strides = array<i32>} : memref<25600xi32, #tpu.memory_space<vmem>>, vector<16xi32>,
      %get3A_85 = vector.shape_cast %get3A_84 : vector<16xi32> to vector<16xi32>
      %add3A_86 = arith.constant 208 : i32
      %add3A_87 = arith.addi %mul3A_21, %add3A_86 : i32
      %get3A_88 = arith.index_cast %add3A_87 : i32 to index
      %get3A_89 = tpu.vector_load %arg5[%get3A_88] {strides = array<i32>} : memref<25600xi32, #tpu.memory_space<vmem>>, vector<16xi32>,
      %get3A_90 = vector.shape_cast %get3A_89 : vector<16xi32> to vector<16xi32>
      %add3A_91 = arith.constant 224 : i32
      %add3A_92 = arith.addi %mul3A_21, %add3A_91 : i32
      %get3A_93 = arith.index_cast %add3A_92 : i32 to index
      %get3A_94 = tpu.vector_load %arg5[%get3A_93] {strides = array<i32>} : memref<25600xi32, #tpu.memory_space<vmem>>, vector<16xi32>,
      %get3A_95 = vector.shape_cast %get3A_94 : vector<16xi32> to vector<16xi32>
      %add3A_96 = arith.constant 240 : i32
      %add3A_97 = arith.addi %mul3A_21, %add3A_96 : i32
      %get3A_98 = arith.index_cast %add3A_97 : i32 to index
      %get3A_99 = tpu.vector_load %arg5[%get3A_98] {strides = array<i32>} : memref<25600xi32, #tpu.memory_space<vmem>>, vector<16xi32>,
      %get3A_100 = vector.shape_cast %get3A_99 : vector<16xi32> to vector<16xi32>
      %add3A_101 = arith.constant 256 : i32
      %add3A_102 = arith.addi %mul3A_21, %add3A_101 : i32
      %get3A_103 = arith.index_cast %add3A_102 : i32 to index
      %get3A_104 = tpu.vector_load %arg5[%get3A_103] {strides = array<i32>} : memref<25600xi32, #tpu.memory_space<vmem>>, vector<16xi32>,
      %get3A_105 = vector.shape_cast %get3A_104 : vector<16xi32> to vector<16xi32>
      %add3A_106 = arith.constant 272 : i32
      %add3A_107 = arith.addi %mul3A_21, %add3A_106 : i32
      %get3A_108 = arith.index_cast %add3A_107 : i32 to index
      %get3A_109 = tpu.vector_load %arg5[%get3A_108] {strides = array<i32>} : memref<25600xi32, #tpu.memory_space<vmem>>, vector<16xi32>,
      %get3A_110 = vector.shape_cast %get3A_109 : vector<16xi32> to vector<16xi32>
      %add3A_111 = arith.constant 288 : i32
      %add3A_112 = arith.addi %mul3A_21, %add3A_111 : i32
      %get3A_113 = arith.index_cast %add3A_112 : i32 to index
      %get3A_114 = tpu.vector_load %arg5[%get3A_113] {strides = array<i32>} : memref<25600xi32, #tpu.memory_space<vmem>>, vector<16xi32>,
      %get3A_115 = vector.shape_cast %get3A_114 : vector<16xi32> to vector<16xi32>
      %add3A_116 = arith.constant 304 : i32
      %add3A_117 = arith.addi %mul3A_21, %add3A_116 : i32
      %get3A_118 = arith.index_cast %add3A_117 : i32 to index
      %get3A_119 = tpu.vector_load %arg5[%get3A_118] {strides = array<i32>} : memref<25600xi32, #tpu.memory_space<vmem>>, vector<16xi32>,
      %get3A_120 = vector.shape_cast %get3A_119 : vector<16xi32> to vector<16xi32>
      %add3A_121 = arith.constant 320 : i32
      %add3A_122 = arith.addi %mul3A_21, %add3A_121 : i32
      %get3A_123 = arith.index_cast %add3A_122 : i32 to index
      %get3A_124 = tpu.vector_load %arg5[%get3A_123] {strides = array<i32>} : memref<25600xi32, #tpu.memory_space<vmem>>, vector<16xi32>,
      %get3A_125 = vector.shape_cast %get3A_124 : vector<16xi32> to vector<16xi32>
      %add3A_126 = arith.constant 336 : i32
      %add3A_127 = arith.addi %mul3A_21, %add3A_126 : i32
      %get3A_128 = arith.index_cast %add3A_127 : i32 to index
      %get3A_129 = tpu.vector_load %arg5[%get3A_128] {strides = array<i32>} : memref<25600xi32, #tpu.memory_space<vmem>>, vector<16xi32>,
      %get3A_130 = vector.shape_cast %get3A_129 : vector<16xi32> to vector<16xi32>
      %add3A_131 = arith.constant 352 : i32
      %add3A_132 = arith.addi %mul3A_21, %add3A_131 : i32
      %get3A_133 = arith.index_cast %add3A_132 : i32 to index
      %get3A_134 = tpu.vector_load %arg5[%get3A_133] {strides = array<i32>} : memref<25600xi32, #tpu.memory_space<vmem>>, vector<16xi32>,
      %get3A_135 = vector.shape_cast %get3A_134 : vector<16xi32> to vector<16xi32>
      %add3A_136 = arith.constant 368 : i32
      %add3A_137 = arith.addi %mul3A_21, %add3A_136 : i32
      %get3A_138 = arith.index_cast %add3A_137 : i32 to index
      %get3A_139 = tpu.vector_load %arg5[%get3A_138] {strides = array<i32>} : memref<25600xi32, #tpu.memory_space<vmem>>, vector<16xi32>,
      %get3A_140 = vector.shape_cast %get3A_139 : vector<16xi32> to vector<16xi32>
      %add3A_141 = arith.constant 384 : i32
      %add3A_142 = arith.addi %mul3A_21, %add3A_141 : i32
      %get3A_143 = arith.index_cast %add3A_142 : i32 to index
      %get3A_144 = tpu.vector_load %arg5[%get3A_143] {strides = array<i32>} : memref<25600xi32, #tpu.memory_space<vmem>>, vector<16xi32>,
      %get3A_145 = vector.shape_cast %get3A_144 : vector<16xi32> to vector<16xi32>
      %lt3A = arith.constant 8 : i32
      %lt3A_146 = vector.broadcast %lt3A : i32 to vector<16xi32>
      %lt3A_147 = arith.cmpi slt, %iota3A, %lt3A_146 : vector<16xi32>
      %broadcast_in_dim3A = vector.broadcast %scan3A_3 : i32 to vector<16xi32>
      %select_n3A = arith.select %lt3A_147, %get3A_85, %broadcast_in_dim3A : vector<16xi1>, vector<16xi32>
      %ge3A = arith.constant 8 : i32
      %ge3A_148 = vector.broadcast %ge3A : i32 to vector<16xi32>
      %ge3A_149 = arith.cmpi sge, %iota3A, %ge3A_148 : vector<16xi32>
      %broadcast_in_dim3A_150 = vector.broadcast %scan3A_3 : i32 to vector<16xi32>
      %select_n3A_151 = arith.select %ge3A_149, %get3A_85, %broadcast_in_dim3A_150 : vector<16xi1>, vector<16xi32>
      %min3A = arith.minsi %select_n3A, %get3A_25 : vector<16xi32>
      %min3A_152 = arith.minsi %min3A, %get3A_30 : vector<16xi32>
      %min3A_153 = arith.minsi %min3A_152, %get3A_35 : vector<16xi32>
      %min3A_154 = arith.minsi %min3A_153, %get3A_40 : vector<16xi32>
      %min3A_155 = arith.minsi %min3A_154, %get3A_45 : vector<16xi32>
      %min3A_156 = arith.minsi %min3A_155, %get3A_50 : vector<16xi32>
      %min3A_157 = arith.minsi %min3A_156, %get3A_55 : vector<16xi32>
      %min3A_158 = arith.minsi %min3A_157, %get3A_60 : vector<16xi32>
      %min3A_159 = arith.minsi %min3A_158, %get3A_65 : vector<16xi32>
      %min3A_160 = arith.minsi %min3A_159, %get3A_70 : vector<16xi32>
      %min3A_161 = arith.minsi %min3A_160, %get3A_75 : vector<16xi32>
      %min3A_162 = arith.minsi %min3A_161, %get3A_80 : vector<16xi32>
      %min3A_163 = arith.minsi %select_n3A_151, %get3A_90 : vector<16xi32>
      %min3A_164 = arith.minsi %min3A_163, %get3A_95 : vector<16xi32>
      %min3A_165 = arith.minsi %min3A_164, %get3A_100 : vector<16xi32>
      %min3A_166 = arith.minsi %min3A_165, %get3A_105 : vector<16xi32>
      %min3A_167 = arith.minsi %min3A_166, %get3A_110 : vector<16xi32>
      %min3A_168 = arith.minsi %min3A_167, %get3A_115 : vector<16xi32>
      %min3A_169 = arith.minsi %min3A_168, %get3A_120 : vector<16xi32>
      %min3A_170 = arith.minsi %min3A_169, %get3A_125 : vector<16xi32>
      %min3A_171 = arith.minsi %min3A_170, %get3A_130 : vector<16xi32>
      %min3A_172 = arith.minsi %min3A_171, %get3A_135 : vector<16xi32>
      %min3A_173 = arith.minsi %min3A_172, %get3A_140 : vector<16xi32>
      %min3A_174 = arith.minsi %min3A_173, %get3A_145 : vector<16xi32>
      %xor3A = arith.constant 8 : i32
      %xor3A_175 = vector.broadcast %xor3A : i32 to vector<16xi32>
      %xor3A_176 = arith.xori %iota3A, %xor3A_175 : vector<16xi32>
      %broadcast_in_dim3A_177 = vector.shape_cast %xor3A_176 : vector<16xi32> to vector<16x1xi32>
      %gather3A = vector.shape_cast %broadcast_in_dim3A_177 : vector<16x1xi32> to vector<16xi32>
      %gather3A_178 = tpu.dynamic_gather %min3A_162[%gather3A] in [0] : vector<16xi32>, vector<16xi32> -> vector<16xi32>
      %min3A_179 = arith.minsi %min3A_162, %gather3A_178 : vector<16xi32>
      %xor3A_180 = arith.constant 4 : i32
      %xor3A_181 = vector.broadcast %xor3A_180 : i32 to vector<16xi32>
      %xor3A_182 = arith.xori %iota3A, %xor3A_181 : vector<16xi32>
      %broadcast_in_dim3A_183 = vector.shape_cast %xor3A_182 : vector<16xi32> to vector<16x1xi32>
      %gather3A_184 = vector.shape_cast %broadcast_in_dim3A_183 : vector<16x1xi32> to vector<16xi32>
      %gather3A_185 = tpu.dynamic_gather %min3A_179[%gather3A_184] in [0] : vector<16xi32>, vector<16xi32> -> vector<16xi32>
      %min3A_186 = arith.minsi %min3A_179, %gather3A_185 : vector<16xi32>
      %xor3A_187 = arith.constant 2 : i32
      %xor3A_188 = vector.broadcast %xor3A_187 : i32 to vector<16xi32>
      %xor3A_189 = arith.xori %iota3A, %xor3A_188 : vector<16xi32>
      %broadcast_in_dim3A_190 = vector.shape_cast %xor3A_189 : vector<16xi32> to vector<16x1xi32>
      %gather3A_191 = vector.shape_cast %broadcast_in_dim3A_190 : vector<16x1xi32> to vector<16xi32>
      %gather3A_192 = tpu.dynamic_gather %min3A_186[%gather3A_191] in [0] : vector<16xi32>, vector<16xi32> -> vector<16xi32>
      %min3A_193 = arith.minsi %min3A_186, %gather3A_192 : vector<16xi32>
      %xor3A_194 = arith.constant 1 : i32
      %xor3A_195 = vector.broadcast %xor3A_194 : i32 to vector<16xi32>
      %xor3A_196 = arith.xori %iota3A, %xor3A_195 : vector<16xi32>
      %broadcast_in_dim3A_197 = vector.shape_cast %xor3A_196 : vector<16xi32> to vector<16x1xi32>
      %gather3A_198 = vector.shape_cast %broadcast_in_dim3A_197 : vector<16x1xi32> to vector<16xi32>
      %gather3A_199 = tpu.dynamic_gather %min3A_193[%gather3A_198] in [0] : vector<16xi32>, vector<16xi32> -> vector<16xi32>
      %min3A_200 = arith.minsi %min3A_193, %gather3A_199 : vector<16xi32>
      %xor3A_201 = arith.constant 8 : i32
      %xor3A_202 = vector.broadcast %xor3A_201 : i32 to vector<16xi32>
      %xor3A_203 = arith.xori %iota3A, %xor3A_202 : vector<16xi32>
      %broadcast_in_dim3A_204 = vector.shape_cast %xor3A_203 : vector<16xi32> to vector<16x1xi32>
      %gather3A_205 = vector.shape_cast %broadcast_in_dim3A_204 : vector<16x1xi32> to vector<16xi32>
      %gather3A_206 = tpu.dynamic_gather %min3A_174[%gather3A_205] in [0] : vector<16xi32>, vector<16xi32> -> vector<16xi32>
      %min3A_207 = arith.minsi %min3A_174, %gather3A_206 : vector<16xi32>
      %xor3A_208 = arith.constant 4 : i32
      %xor3A_209 = vector.broadcast %xor3A_208 : i32 to vector<16xi32>
      %xor3A_210 = arith.xori %iota3A, %xor3A_209 : vector<16xi32>
      %broadcast_in_dim3A_211 = vector.shape_cast %xor3A_210 : vector<16xi32> to vector<16x1xi32>
      %gather3A_212 = vector.shape_cast %broadcast_in_dim3A_211 : vector<16x1xi32> to vector<16xi32>
      %gather3A_213 = tpu.dynamic_gather %min3A_207[%gather3A_212] in [0] : vector<16xi32>, vector<16xi32> -> vector<16xi32>
      %min3A_214 = arith.minsi %min3A_207, %gather3A_213 : vector<16xi32>
      %xor3A_215 = arith.constant 2 : i32
      %xor3A_216 = vector.broadcast %xor3A_215 : i32 to vector<16xi32>
      %xor3A_217 = arith.xori %iota3A, %xor3A_216 : vector<16xi32>
      %broadcast_in_dim3A_218 = vector.shape_cast %xor3A_217 : vector<16xi32> to vector<16x1xi32>
      %gather3A_219 = vector.shape_cast %broadcast_in_dim3A_218 : vector<16x1xi32> to vector<16xi32>
      %gather3A_220 = tpu.dynamic_gather %min3A_214[%gather3A_219] in [0] : vector<16xi32>, vector<16xi32> -> vector<16xi32>
      %min3A_221 = arith.minsi %min3A_214, %gather3A_220 : vector<16xi32>
      %xor3A_222 = arith.constant 1 : i32
      %xor3A_223 = vector.broadcast %xor3A_222 : i32 to vector<16xi32>
      %xor3A_224 = arith.xori %iota3A, %xor3A_223 : vector<16xi32>
      %broadcast_in_dim3A_225 = vector.shape_cast %xor3A_224 : vector<16xi32> to vector<16x1xi32>
      %gather3A_226 = vector.shape_cast %broadcast_in_dim3A_225 : vector<16x1xi32> to vector<16xi32>
      %gather3A_227 = tpu.dynamic_gather %min3A_221[%gather3A_226] in [0] : vector<16xi32>, vector<16xi32> -> vector<16xi32>
      %min3A_228 = arith.minsi %min3A_221, %gather3A_227 : vector<16xi32>
      %sub3A = arith.subi %get3A_25, %min3A_200 : vector<16xi32>
      %add3A_229 = arith.constant 0 : i32
      %add3A_230 = arith.addi %mul3A_21, %add3A_229 : i32
      %swap3A = arith.index_cast %add3A_230 : i32 to index
      %swap3A_231 = tpu.vector_load %arg5[%swap3A] {strides = array<i32>} : memref<25600xi32, #tpu.memory_space<vmem>>, vector<16xi32>,
      %swap3A_232 = vector.shape_cast %swap3A_231 : vector<16xi32> to vector<16xi32>
      %swap3A_233 = vector.shape_cast %sub3A : vector<16xi32> to vector<16xi32>
      tpu.vector_store %arg5[%swap3A], %swap3A_233 {strides = array<i32>} : memref<25600xi32, #tpu.memory_space<vmem>>, vector<16xi32>,
      %sub3A_234 = arith.subi %get3A_30, %min3A_200 : vector<16xi32>
      %add3A_235 = arith.constant 16 : i32
      %add3A_236 = arith.addi %mul3A_21, %add3A_235 : i32
      %swap3A_237 = arith.index_cast %add3A_236 : i32 to index
      %swap3A_238 = tpu.vector_load %arg5[%swap3A_237] {strides = array<i32>} : memref<25600xi32, #tpu.memory_space<vmem>>, vector<16xi32>,
      %swap3A_239 = vector.shape_cast %swap3A_238 : vector<16xi32> to vector<16xi32>
      %swap3A_240 = vector.shape_cast %sub3A_234 : vector<16xi32> to vector<16xi32>
      tpu.vector_store %arg5[%swap3A_237], %swap3A_240 {strides = array<i32>} : memref<25600xi32, #tpu.memory_space<vmem>>, vector<16xi32>,
      %sub3A_241 = arith.subi %get3A_35, %min3A_200 : vector<16xi32>
      %add3A_242 = arith.constant 32 : i32
      %add3A_243 = arith.addi %mul3A_21, %add3A_242 : i32
      %swap3A_244 = arith.index_cast %add3A_243 : i32 to index
      %swap3A_245 = tpu.vector_load %arg5[%swap3A_244] {strides = array<i32>} : memref<25600xi32, #tpu.memory_space<vmem>>, vector<16xi32>,
      %swap3A_246 = vector.shape_cast %swap3A_245 : vector<16xi32> to vector<16xi32>
      %swap3A_247 = vector.shape_cast %sub3A_241 : vector<16xi32> to vector<16xi32>
      tpu.vector_store %arg5[%swap3A_244], %swap3A_247 {strides = array<i32>} : memref<25600xi32, #tpu.memory_space<vmem>>, vector<16xi32>,
      %sub3A_248 = arith.subi %get3A_40, %min3A_200 : vector<16xi32>
      %add3A_249 = arith.constant 48 : i32
      %add3A_250 = arith.addi %mul3A_21, %add3A_249 : i32
      %swap3A_251 = arith.index_cast %add3A_250 : i32 to index
      %swap3A_252 = tpu.vector_load %arg5[%swap3A_251] {strides = array<i32>} : memref<25600xi32, #tpu.memory_space<vmem>>, vector<16xi32>,
      %swap3A_253 = vector.shape_cast %swap3A_252 : vector<16xi32> to vector<16xi32>
      %swap3A_254 = vector.shape_cast %sub3A_248 : vector<16xi32> to vector<16xi32>
      tpu.vector_store %arg5[%swap3A_251], %swap3A_254 {strides = array<i32>} : memref<25600xi32, #tpu.memory_space<vmem>>, vector<16xi32>,
      %sub3A_255 = arith.subi %get3A_45, %min3A_200 : vector<16xi32>
      %add3A_256 = arith.constant 64 : i32
      %add3A_257 = arith.addi %mul3A_21, %add3A_256 : i32
      %swap3A_258 = arith.index_cast %add3A_257 : i32 to index
      %swap3A_259 = tpu.vector_load %arg5[%swap3A_258] {strides = array<i32>} : memref<25600xi32, #tpu.memory_space<vmem>>, vector<16xi32>,
      %swap3A_260 = vector.shape_cast %swap3A_259 : vector<16xi32> to vector<16xi32>
      %swap3A_261 = vector.shape_cast %sub3A_255 : vector<16xi32> to vector<16xi32>
      tpu.vector_store %arg5[%swap3A_258], %swap3A_261 {strides = array<i32>} : memref<25600xi32, #tpu.memory_space<vmem>>, vector<16xi32>,
      %sub3A_262 = arith.subi %get3A_50, %min3A_200 : vector<16xi32>
      %add3A_263 = arith.constant 80 : i32
      %add3A_264 = arith.addi %mul3A_21, %add3A_263 : i32
      %swap3A_265 = arith.index_cast %add3A_264 : i32 to index
      %swap3A_266 = tpu.vector_load %arg5[%swap3A_265] {strides = array<i32>} : memref<25600xi32, #tpu.memory_space<vmem>>, vector<16xi32>,
      %swap3A_267 = vector.shape_cast %swap3A_266 : vector<16xi32> to vector<16xi32>
      %swap3A_268 = vector.shape_cast %sub3A_262 : vector<16xi32> to vector<16xi32>
      tpu.vector_store %arg5[%swap3A_265], %swap3A_268 {strides = array<i32>} : memref<25600xi32, #tpu.memory_space<vmem>>, vector<16xi32>,
      %sub3A_269 = arith.subi %get3A_55, %min3A_200 : vector<16xi32>
      %add3A_270 = arith.constant 96 : i32
      %add3A_271 = arith.addi %mul3A_21, %add3A_270 : i32
      %swap3A_272 = arith.index_cast %add3A_271 : i32 to index
      %swap3A_273 = tpu.vector_load %arg5[%swap3A_272] {strides = array<i32>} : memref<25600xi32, #tpu.memory_space<vmem>>, vector<16xi32>,
      %swap3A_274 = vector.shape_cast %swap3A_273 : vector<16xi32> to vector<16xi32>
      %swap3A_275 = vector.shape_cast %sub3A_269 : vector<16xi32> to vector<16xi32>
      tpu.vector_store %arg5[%swap3A_272], %swap3A_275 {strides = array<i32>} : memref<25600xi32, #tpu.memory_space<vmem>>, vector<16xi32>,
      %sub3A_276 = arith.subi %get3A_60, %min3A_200 : vector<16xi32>
      %add3A_277 = arith.constant 112 : i32
      %add3A_278 = arith.addi %mul3A_21, %add3A_277 : i32
      %swap3A_279 = arith.index_cast %add3A_278 : i32 to index
      %swap3A_280 = tpu.vector_load %arg5[%swap3A_279] {strides = array<i32>} : memref<25600xi32, #tpu.memory_space<vmem>>, vector<16xi32>,
      %swap3A_281 = vector.shape_cast %swap3A_280 : vector<16xi32> to vector<16xi32>
      %swap3A_282 = vector.shape_cast %sub3A_276 : vector<16xi32> to vector<16xi32>
      tpu.vector_store %arg5[%swap3A_279], %swap3A_282 {strides = array<i32>} : memref<25600xi32, #tpu.memory_space<vmem>>, vector<16xi32>,
      %sub3A_283 = arith.subi %get3A_65, %min3A_200 : vector<16xi32>
      %add3A_284 = arith.constant 128 : i32
      %add3A_285 = arith.addi %mul3A_21, %add3A_284 : i32
      %swap3A_286 = arith.index_cast %add3A_285 : i32 to index
      %swap3A_287 = tpu.vector_load %arg5[%swap3A_286] {strides = array<i32>} : memref<25600xi32, #tpu.memory_space<vmem>>, vector<16xi32>,
      %swap3A_288 = vector.shape_cast %swap3A_287 : vector<16xi32> to vector<16xi32>
      %swap3A_289 = vector.shape_cast %sub3A_283 : vector<16xi32> to vector<16xi32>
      tpu.vector_store %arg5[%swap3A_286], %swap3A_289 {strides = array<i32>} : memref<25600xi32, #tpu.memory_space<vmem>>, vector<16xi32>,
      %sub3A_290 = arith.subi %get3A_70, %min3A_200 : vector<16xi32>
      %add3A_291 = arith.constant 144 : i32
      %add3A_292 = arith.addi %mul3A_21, %add3A_291 : i32
      %swap3A_293 = arith.index_cast %add3A_292 : i32 to index
      %swap3A_294 = tpu.vector_load %arg5[%swap3A_293] {strides = array<i32>} : memref<25600xi32, #tpu.memory_space<vmem>>, vector<16xi32>,
      %swap3A_295 = vector.shape_cast %swap3A_294 : vector<16xi32> to vector<16xi32>
      %swap3A_296 = vector.shape_cast %sub3A_290 : vector<16xi32> to vector<16xi32>
      tpu.vector_store %arg5[%swap3A_293], %swap3A_296 {strides = array<i32>} : memref<25600xi32, #tpu.memory_space<vmem>>, vector<16xi32>,
      %sub3A_297 = arith.subi %get3A_75, %min3A_200 : vector<16xi32>
      %add3A_298 = arith.constant 160 : i32
      %add3A_299 = arith.addi %mul3A_21, %add3A_298 : i32
      %swap3A_300 = arith.index_cast %add3A_299 : i32 to index
      %swap3A_301 = tpu.vector_load %arg5[%swap3A_300] {strides = array<i32>} : memref<25600xi32, #tpu.memory_space<vmem>>, vector<16xi32>,
      %swap3A_302 = vector.shape_cast %swap3A_301 : vector<16xi32> to vector<16xi32>
      %swap3A_303 = vector.shape_cast %sub3A_297 : vector<16xi32> to vector<16xi32>
      tpu.vector_store %arg5[%swap3A_300], %swap3A_303 {strides = array<i32>} : memref<25600xi32, #tpu.memory_space<vmem>>, vector<16xi32>,
      %sub3A_304 = arith.subi %get3A_80, %min3A_200 : vector<16xi32>
      %add3A_305 = arith.constant 176 : i32
      %add3A_306 = arith.addi %mul3A_21, %add3A_305 : i32
      %swap3A_307 = arith.index_cast %add3A_306 : i32 to index
      %swap3A_308 = tpu.vector_load %arg5[%swap3A_307] {strides = array<i32>} : memref<25600xi32, #tpu.memory_space<vmem>>, vector<16xi32>,
      %swap3A_309 = vector.shape_cast %swap3A_308 : vector<16xi32> to vector<16xi32>
      %swap3A_310 = vector.shape_cast %sub3A_304 : vector<16xi32> to vector<16xi32>
      tpu.vector_store %arg5[%swap3A_307], %swap3A_310 {strides = array<i32>} : memref<25600xi32, #tpu.memory_space<vmem>>, vector<16xi32>,
      %lt3A_311 = arith.constant 8 : i32
      %lt3A_312 = vector.broadcast %lt3A_311 : i32 to vector<16xi32>
      %lt3A_313 = arith.cmpi slt, %iota3A, %lt3A_312 : vector<16xi32>
      %select_n3A_314 = arith.select %lt3A_313, %min3A_200, %min3A_228 : vector<16xi1>, vector<16xi32>
      %sub3A_315 = arith.subi %get3A_85, %select_n3A_314 : vector<16xi32>
      %add3A_316 = arith.constant 192 : i32
      %add3A_317 = arith.addi %mul3A_21, %add3A_316 : i32
      %swap3A_318 = arith.index_cast %add3A_317 : i32 to index
      %swap3A_319 = tpu.vector_load %arg5[%swap3A_318] {strides = array<i32>} : memref<25600xi32, #tpu.memory_space<vmem>>, vector<16xi32>,
      %swap3A_320 = vector.shape_cast %swap3A_319 : vector<16xi32> to vector<16xi32>
      %swap3A_321 = vector.shape_cast %sub3A_315 : vector<16xi32> to vector<16xi32>
      tpu.vector_store %arg5[%swap3A_318], %swap3A_321 {strides = array<i32>} : memref<25600xi32, #tpu.memory_space<vmem>>, vector<16xi32>,
      %sub3A_322 = arith.subi %get3A_90, %min3A_228 : vector<16xi32>
      %add3A_323 = arith.constant 208 : i32
      %add3A_324 = arith.addi %mul3A_21, %add3A_323 : i32
      %swap3A_325 = arith.index_cast %add3A_324 : i32 to index
      %swap3A_326 = tpu.vector_load %arg5[%swap3A_325] {strides = array<i32>} : memref<25600xi32, #tpu.memory_space<vmem>>, vector<16xi32>,
      %swap3A_327 = vector.shape_cast %swap3A_326 : vector<16xi32> to vector<16xi32>
      %swap3A_328 = vector.shape_cast %sub3A_322 : vector<16xi32> to vector<16xi32>
      tpu.vector_store %arg5[%swap3A_325], %swap3A_328 {strides = array<i32>} : memref<25600xi32, #tpu.memory_space<vmem>>, vector<16xi32>,
      %sub3A_329 = arith.subi %get3A_95, %min3A_228 : vector<16xi32>
      %add3A_330 = arith.constant 224 : i32
      %add3A_331 = arith.addi %mul3A_21, %add3A_330 : i32
      %swap3A_332 = arith.index_cast %add3A_331 : i32 to index
      %swap3A_333 = tpu.vector_load %arg5[%swap3A_332] {strides = array<i32>} : memref<25600xi32, #tpu.memory_space<vmem>>, vector<16xi32>,
      %swap3A_334 = vector.shape_cast %swap3A_333 : vector<16xi32> to vector<16xi32>
      %swap3A_335 = vector.shape_cast %sub3A_329 : vector<16xi32> to vector<16xi32>
      tpu.vector_store %arg5[%swap3A_332], %swap3A_335 {strides = array<i32>} : memref<25600xi32, #tpu.memory_space<vmem>>, vector<16xi32>,
      %sub3A_336 = arith.subi %get3A_100, %min3A_228 : vector<16xi32>
      %add3A_337 = arith.constant 240 : i32
      %add3A_338 = arith.addi %mul3A_21, %add3A_337 : i32
      %swap3A_339 = arith.index_cast %add3A_338 : i32 to index
      %swap3A_340 = tpu.vector_load %arg5[%swap3A_339] {strides = array<i32>} : memref<25600xi32, #tpu.memory_space<vmem>>, vector<16xi32>,
      %swap3A_341 = vector.shape_cast %swap3A_340 : vector<16xi32> to vector<16xi32>
      %swap3A_342 = vector.shape_cast %sub3A_336 : vector<16xi32> to vector<16xi32>
      tpu.vector_store %arg5[%swap3A_339], %swap3A_342 {strides = array<i32>} : memref<25600xi32, #tpu.memory_space<vmem>>, vector<16xi32>,
      %sub3A_343 = arith.subi %get3A_105, %min3A_228 : vector<16xi32>
      %add3A_344 = arith.constant 256 : i32
      %add3A_345 = arith.addi %mul3A_21, %add3A_344 : i32
      %swap3A_346 = arith.index_cast %add3A_345 : i32 to index
      %swap3A_347 = tpu.vector_load %arg5[%swap3A_346] {strides = array<i32>} : memref<25600xi32, #tpu.memory_space<vmem>>, vector<16xi32>,
      %swap3A_348 = vector.shape_cast %swap3A_347 : vector<16xi32> to vector<16xi32>
      %swap3A_349 = vector.shape_cast %sub3A_343 : vector<16xi32> to vector<16xi32>
      tpu.vector_store %arg5[%swap3A_346], %swap3A_349 {strides = array<i32>} : memref<25600xi32, #tpu.memory_space<vmem>>, vector<16xi32>,
      %sub3A_350 = arith.subi %get3A_110, %min3A_228 : vector<16xi32>
      %add3A_351 = arith.constant 272 : i32
      %add3A_352 = arith.addi %mul3A_21, %add3A_351 : i32
      %swap3A_353 = arith.index_cast %add3A_352 : i32 to index
      %swap3A_354 = tpu.vector_load %arg5[%swap3A_353] {strides = array<i32>} : memref<25600xi32, #tpu.memory_space<vmem>>, vector<16xi32>,
      %swap3A_355 = vector.shape_cast %swap3A_354 : vector<16xi32> to vector<16xi32>
      %swap3A_356 = vector.shape_cast %sub3A_350 : vector<16xi32> to vector<16xi32>
      tpu.vector_store %arg5[%swap3A_353], %swap3A_356 {strides = array<i32>} : memref<25600xi32, #tpu.memory_space<vmem>>, vector<16xi32>,
      %sub3A_357 = arith.subi %get3A_115, %min3A_228 : vector<16xi32>
      %add3A_358 = arith.constant 288 : i32
      %add3A_359 = arith.addi %mul3A_21, %add3A_358 : i32
      %swap3A_360 = arith.index_cast %add3A_359 : i32 to index
      %swap3A_361 = tpu.vector_load %arg5[%swap3A_360] {strides = array<i32>} : memref<25600xi32, #tpu.memory_space<vmem>>, vector<16xi32>,
      %swap3A_362 = vector.shape_cast %swap3A_361 : vector<16xi32> to vector<16xi32>
      %swap3A_363 = vector.shape_cast %sub3A_357 : vector<16xi32> to vector<16xi32>
      tpu.vector_store %arg5[%swap3A_360], %swap3A_363 {strides = array<i32>} : memref<25600xi32, #tpu.memory_space<vmem>>, vector<16xi32>,
      %sub3A_364 = arith.subi %get3A_120, %min3A_228 : vector<16xi32>
      %add3A_365 = arith.constant 304 : i32
      %add3A_366 = arith.addi %mul3A_21, %add3A_365 : i32
      %swap3A_367 = arith.index_cast %add3A_366 : i32 to index
      %swap3A_368 = tpu.vector_load %arg5[%swap3A_367] {strides = array<i32>} : memref<25600xi32, #tpu.memory_space<vmem>>, vector<16xi32>,
      %swap3A_369 = vector.shape_cast %swap3A_368 : vector<16xi32> to vector<16xi32>
      %swap3A_370 = vector.shape_cast %sub3A_364 : vector<16xi32> to vector<16xi32>
      tpu.vector_store %arg5[%swap3A_367], %swap3A_370 {strides = array<i32>} : memref<25600xi32, #tpu.memory_space<vmem>>, vector<16xi32>,
      %sub3A_371 = arith.subi %get3A_125, %min3A_228 : vector<16xi32>
      %add3A_372 = arith.constant 320 : i32
      %add3A_373 = arith.addi %mul3A_21, %add3A_372 : i32
      %swap3A_374 = arith.index_cast %add3A_373 : i32 to index
      %swap3A_375 = tpu.vector_load %arg5[%swap3A_374] {strides = array<i32>} : memref<25600xi32, #tpu.memory_space<vmem>>, vector<16xi32>,
      %swap3A_376 = vector.shape_cast %swap3A_375 : vector<16xi32> to vector<16xi32>
      %swap3A_377 = vector.shape_cast %sub3A_371 : vector<16xi32> to vector<16xi32>
      tpu.vector_store %arg5[%swap3A_374], %swap3A_377 {strides = array<i32>} : memref<25600xi32, #tpu.memory_space<vmem>>, vector<16xi32>,
      %sub3A_378 = arith.subi %get3A_130, %min3A_228 : vector<16xi32>
      %add3A_379 = arith.constant 336 : i32
      %add3A_380 = arith.addi %mul3A_21, %add3A_379 : i32
      %swap3A_381 = arith.index_cast %add3A_380 : i32 to index
      %swap3A_382 = tpu.vector_load %arg5[%swap3A_381] {strides = array<i32>} : memref<25600xi32, #tpu.memory_space<vmem>>, vector<16xi32>,
      %swap3A_383 = vector.shape_cast %swap3A_382 : vector<16xi32> to vector<16xi32>
      %swap3A_384 = vector.shape_cast %sub3A_378 : vector<16xi32> to vector<16xi32>
      tpu.vector_store %arg5[%swap3A_381], %swap3A_384 {strides = array<i32>} : memref<25600xi32, #tpu.memory_space<vmem>>, vector<16xi32>,
      %sub3A_385 = arith.subi %get3A_135, %min3A_228 : vector<16xi32>
      %add3A_386 = arith.constant 352 : i32
      %add3A_387 = arith.addi %mul3A_21, %add3A_386 : i32
      %swap3A_388 = arith.index_cast %add3A_387 : i32 to index
      %swap3A_389 = tpu.vector_load %arg5[%swap3A_388] {strides = array<i32>} : memref<25600xi32, #tpu.memory_space<vmem>>, vector<16xi32>,
      %swap3A_390 = vector.shape_cast %swap3A_389 : vector<16xi32> to vector<16xi32>
      %swap3A_391 = vector.shape_cast %sub3A_385 : vector<16xi32> to vector<16xi32>
      tpu.vector_store %arg5[%swap3A_388], %swap3A_391 {strides = array<i32>} : memref<25600xi32, #tpu.memory_space<vmem>>, vector<16xi32>,
      %sub3A_392 = arith.subi %get3A_140, %min3A_228 : vector<16xi32>
      %add3A_393 = arith.constant 368 : i32
      %add3A_394 = arith.addi %mul3A_21, %add3A_393 : i32
      %swap3A_395 = arith.index_cast %add3A_394 : i32 to index
      %swap3A_396 = tpu.vector_load %arg5[%swap3A_395] {strides = array<i32>} : memref<25600xi32, #tpu.memory_space<vmem>>, vector<16xi32>,
      %swap3A_397 = vector.shape_cast %swap3A_396 : vector<16xi32> to vector<16xi32>
      %swap3A_398 = vector.shape_cast %sub3A_392 : vector<16xi32> to vector<16xi32>
      tpu.vector_store %arg5[%swap3A_395], %swap3A_398 {strides = array<i32>} : memref<25600xi32, #tpu.memory_space<vmem>>, vector<16xi32>,
      %sub3A_399 = arith.subi %get3A_145, %min3A_228 : vector<16xi32>
      %add3A_400 = arith.constant 384 : i32
      %add3A_401 = arith.addi %mul3A_21, %add3A_400 : i32
      %swap3A_402 = arith.index_cast %add3A_401 : i32 to index
      %swap3A_403 = tpu.vector_load %arg5[%swap3A_402] {strides = array<i32>} : memref<25600xi32, #tpu.memory_space<vmem>>, vector<16xi32>,
      %swap3A_404 = vector.shape_cast %swap3A_403 : vector<16xi32> to vector<16xi32>
      %swap3A_405 = vector.shape_cast %sub3A_399 : vector<16xi32> to vector<16xi32>
      tpu.vector_store %arg5[%swap3A_402], %swap3A_405 {strides = array<i32>} : memref<25600xi32, #tpu.memory_space<vmem>>, vector<16xi32>,
    }
    %scan3A_8 = arith.constant 64 : i32
    %dma_start3A = arith.constant 0 : i32
    %dma_start3A_9 = tpu.memref_slice %arg5[%dma_start3A] : memref<25600xi32, #tpu.memory_space<vmem>> -> memref<128xi32, #tpu.memory_space<vmem>>
    %dma_start3A_10 = arith.constant 0 : i32
    %dma_start3A_11 = arith.constant 0 : i32
    %dma_start3A_12 = tpu.memref_slice %arg3[%dma_start3A_10, %dma_start3A_11] : memref<10000x128xf32, #tpu.memory_space<hbm>> -> memref<10000x128xf32, #tpu.memory_space<hbm>>
    tpu.enqueue_indirect_dma source(%dma_start3A_12 : memref<10000x128xf32, #tpu.memory_space<hbm>>) target(%arg6 : memref<128x128xf32, #tpu.memory_space<vmem>>) offsets(%dma_start3A_9 : memref<128xi32, #tpu.memory_space<vmem>>) semaphore(%arg8 : memref<!tpu.dma_semaphore, #tpu.memory_space<semaphore_mem>>)
    %scan3A_13 = arith.constant 0 : i32
    %scan3A_14 = arith.constant 0 : i32
    %scan3A_15 = arith.constant 100 : i32
    %scan3A_16 = arith.addi %scan3A_14, %scan3A_15 : i32
    %scan3A_17 = arith.constant 1 : i32
    scf.for %scan3A_19 = %scan3A_14 to %scan3A_16 step %scan3A_17  : i32 {
      %mul3A_20 = arith.constant 2 : i32
      %mul3A_21 = arith.muli %mul3A_20, %scan3A_19 : i32
      %add3A_22 = arith.constant 1 : i32
      %add3A_23 = arith.addi %mul3A_21, %add3A_22 : i32
      %mul3A_24 = arith.constant 128 : i32
      %mul3A_25 = arith.muli %add3A_23, %mul3A_24 : i32
      %dma_start3A_26 = tpu.memref_slice %arg5[%mul3A_25] : memref<25600xi32, #tpu.memory_space<vmem>> -> memref<128xi32, #tpu.memory_space<vmem>>
      %dma_start3A_27 = arith.constant 0 : i32
      %dma_start3A_28 = arith.constant 0 : i32
      %dma_start3A_29 = tpu.memref_slice %arg3[%dma_start3A_27, %dma_start3A_28] : memref<10000x128xf32, #tpu.memory_space<hbm>> -> memref<10000x128xf32, #tpu.memory_space<hbm>>
      tpu.enqueue_indirect_dma source(%dma_start3A_29 : memref<10000x128xf32, #tpu.memory_space<hbm>>) target(%arg7 : memref<128x128xf32, #tpu.memory_space<vmem>>) offsets(%dma_start3A_26 : memref<128xi32, #tpu.memory_space<vmem>>) semaphore(%arg9 : memref<!tpu.dma_semaphore, #tpu.memory_space<semaphore_mem>>)
      %mul3A_30 = arith.constant 128 : i32
      %mul3A_31 = arith.muli %mul3A_21, %mul3A_30 : i32
      %dma_wait3A = tpu.memref_slice %arg5[%mul3A_31] : memref<25600xi32, #tpu.memory_space<vmem>> -> memref<128xi32, #tpu.memory_space<vmem>>
      %dma_wait3A_32 = arith.constant 0 : i32
      %dma_wait3A_33 = arith.constant 0 : i32
      %dma_wait3A_34 = tpu.memref_slice %arg3[%dma_wait3A_32, %dma_wait3A_33] : memref<10000x128xf32, #tpu.memory_space<hbm>> -> memref<10000x128xf32, #tpu.memory_space<hbm>>
      tpu.wait_indirect_dma semaphore(%arg8 : memref<!tpu.dma_semaphore, #tpu.memory_space<semaphore_mem>>) src(%dma_wait3A_34 : memref<10000x128xf32, #tpu.memory_space<hbm>>) dst(%arg6 : memref<128x128xf32, #tpu.memory_space<vmem>>)
      %mul3A_35 = arith.constant 128 : i32
      %mul3A_36 = arith.muli %mul3A_21, %mul3A_35 : i32
      %add3A_37 = arith.addi %mul3A_2, %mul3A_36 : i32
      "tpu.region"() ({
        %run_scoped3A = tpu.sem_alloc : memref<!tpu.dma_semaphore, #tpu.memory_space<semaphore_mem>>
        %dma_start3A_55 = arith.constant 0 : i32
        %dma_start3A_56 = tpu.memref_slice %arg4[%add3A_37, %dma_start3A_55] : memref<819200x128xf32, #tpu.memory_space<hbm>> -> memref<128x128xf32, #tpu.memory_space<hbm>>
        %dma_start3A_57 = arith.constant 0 : i32
        %dma_start3A_58 = tpu.memref_slice %arg4[%add3A_37, %dma_start3A_57] : memref<819200x128xf32, #tpu.memory_space<hbm>> -> memref<128x128xf32, #tpu.memory_space<hbm>>
        tpu.enqueue_dma source(%arg6 : memref<128x128xf32, #tpu.memory_space<vmem>>) target(%dma_start3A_58 : memref<128x128xf32, #tpu.memory_space<hbm>>) target_semaphore(%run_scoped3A : memref<!tpu.dma_semaphore, #tpu.memory_space<semaphore_mem>>)
        %dma_wait3A_59 = arith.constant 0 : i32
        %dma_wait3A_60 = tpu.memref_slice %arg4[%add3A_37, %dma_wait3A_59] : memref<819200x128xf32, #tpu.memory_space<hbm>> -> memref<128x128xf32, #tpu.memory_space<hbm>>
        %dma_wait3A_61 = arith.constant 0 : i32
        %dma_wait3A_62 = tpu.memref_slice %arg4[%add3A_37, %dma_wait3A_61] : memref<819200x128xf32, #tpu.memory_space<hbm>> -> memref<128x128xf32, #tpu.memory_space<hbm>>
        tpu.wait_dma2 semaphore(%run_scoped3A : memref<!tpu.dma_semaphore, #tpu.memory_space<semaphore_mem>>) src(%arg6 : memref<128x128xf32, #tpu.memory_space<vmem>>) dst(%dma_wait3A_62 : memref<128x128xf32, #tpu.memory_space<hbm>>)
        tpu.yield
      }) : () -> ()
      %add3A_38 = arith.constant 2 : i32
      %add3A_39 = arith.addi %mul3A_21, %add3A_38 : i32
      %lt3A = arith.constant 200 : i32
      %lt3A_40 = arith.cmpi slt, %add3A_39, %lt3A : i32
      %convert_element_type3A = arith.extui %lt3A_40 : i1 to i32
      %cond3A = arith.constant 0 : i32
      %cond3A_41 = arith.cmpi ne, %convert_element_type3A, %cond3A : i32
      scf.if %cond3A_41 {
        %add3A_55 = arith.constant 2 : i32
        %add3A_56 = arith.addi %mul3A_21, %add3A_55 : i32
        %mul3A_57 = arith.constant 128 : i32
        %mul3A_58 = arith.muli %add3A_56, %mul3A_57 : i32
        %dma_start3A_59 = tpu.memref_slice %arg5[%mul3A_58] : memref<25600xi32, #tpu.memory_space<vmem>> -> memref<128xi32, #tpu.memory_space<vmem>>
        %dma_start3A_60 = arith.constant 0 : i32
        %dma_start3A_61 = arith.constant 0 : i32
        %dma_start3A_62 = tpu.memref_slice %arg3[%dma_start3A_60, %dma_start3A_61] : memref<10000x128xf32, #tpu.memory_space<hbm>> -> memref<10000x128xf32, #tpu.memory_space<hbm>>
        tpu.enqueue_indirect_dma source(%dma_start3A_62 : memref<10000x128xf32, #tpu.memory_space<hbm>>) target(%arg6 : memref<128x128xf32, #tpu.memory_space<vmem>>) offsets(%dma_start3A_59 : memref<128xi32, #tpu.memory_space<vmem>>) semaphore(%arg8 : memref<!tpu.dma_semaphore, #tpu.memory_space<semaphore_mem>>)
      } else {
      }
      %add3A_42 = arith.constant 1 : i32
      %add3A_43 = arith.addi %mul3A_21, %add3A_42 : i32
      %mul3A_44 = arith.constant 128 : i32
      %mul3A_45 = arith.muli %add3A_43, %mul3A_44 : i32
      %dma_wait3A_46 = tpu.memref_slice %arg5[%mul3A_45] : memref<25600xi32, #tpu.memory_space<vmem>> -> memref<128xi32, #tpu.memory_space<vmem>>
      %dma_wait3A_47 = arith.constant 0 : i32
      %dma_wait3A_48 = arith.constant 0 : i32
      %dma_wait3A_49 = tpu.memref_slice %arg3[%dma_wait3A_47, %dma_wait3A_48] : memref<10000x128xf32, #tpu.memory_space<hbm>> -> memref<10000x128xf32, #tpu.memory_space<hbm>>
      tpu.wait_indirect_dma semaphore(%arg9 : memref<!tpu.dma_semaphore, #tpu.memory_space<semaphore_mem>>) src(%dma_wait3A_49 : memref<10000x128xf32, #tpu.memory_space<hbm>>) dst(%arg7 : memref<128x128xf32, #tpu.memory_space<vmem>>)
      %add3A_50 = arith.constant 1 : i32
      %add3A_51 = arith.addi %mul3A_21, %add3A_50 : i32
      %mul3A_52 = arith.constant 128 : i32
      %mul3A_53 = arith.muli %add3A_51, %mul3A_52 : i32
      %add3A_54 = arith.addi %mul3A_2, %mul3A_53 : i32
      "tpu.region"() ({
        %run_scoped3A = tpu.sem_alloc : memref<!tpu.dma_semaphore, #tpu.memory_space<semaphore_mem>>
        %dma_start3A_55 = arith.constant 0 : i32
        %dma_start3A_56 = tpu.memref_slice %arg4[%add3A_54, %dma_start3A_55] : memref<819200x128xf32, #tpu.memory_space<hbm>> -> memref<128x128xf32, #tpu.memory_space<hbm>>
        %dma_start3A_57 = arith.constant 0 : i32
        %dma_start3A_58 = tpu.memref_slice %arg4[%add3A_54, %dma_start3A_57] : memref<819200x128xf32, #tpu.memory_space<hbm>> -> memref<128x128xf32, #tpu.memory_space<hbm>>
        tpu.enqueue_dma source(%arg7 : memref<128x128xf32, #tpu.memory_space<vmem>>) target(%dma_start3A_58 : memref<128x128xf32, #tpu.memory_space<hbm>>) target_semaphore(%run_scoped3A : memref<!tpu.dma_semaphore, #tpu.memory_space<semaphore_mem>>)
        %dma_wait3A_59 = arith.constant 0 : i32
        %dma_wait3A_60 = tpu.memref_slice %arg4[%add3A_54, %dma_wait3A_59] : memref<819200x128xf32, #tpu.memory_space<hbm>> -> memref<128x128xf32, #tpu.memory_space<hbm>>
        %dma_wait3A_61 = arith.constant 0 : i32
        %dma_wait3A_62 = tpu.memref_slice %arg4[%add3A_54, %dma_wait3A_61] : memref<819200x128xf32, #tpu.memory_space<hbm>> -> memref<128x128xf32, #tpu.memory_space<hbm>>
        tpu.wait_dma2 semaphore(%run_scoped3A : memref<!tpu.dma_semaphore, #tpu.memory_space<semaphore_mem>>) src(%arg7 : memref<128x128xf32, #tpu.memory_space<vmem>>) dst(%dma_wait3A_62 : memref<128x128xf32, #tpu.memory_space<hbm>>)
        tpu.yield
      }) : () -> ()
    }
    %scan3A_18 = arith.constant 100 : i32
    return
  }
}

</mosaic_0001>

<sc_bundles>
// kernel: kernel.3.cloned.1.call-start
scs
__scs_entry_jumppad:
0x0: {  	(pc) =	sbr.rel $0x88, $3  }
0x1: {  	(tag) =	ssettag $0x0;
	lr =	simm.s32 $0x1  }
0x2: {  	[smem:$0x3F9F] =	sst lr;
	_ =	strace $0xD0000000  }
0x3: {  	_ = 	snop  }
0x4: {  	_ = 	snop  }
0x5: {  	_ = 	snop  }
0x6: {  	_ = 	snop  }
0x7: {  	_ = 	snop  }
__scs_overlays_trampoline_lowered:
0x8: {  	[smem:$0x3FAE] =	sst s0  }
0x9: {  	[smem:$0x3FAF] =	sst s1  }
0xa: {  	[smem:$0x3FB0] =	sst s2  }
0xb: {  	[smem:$0x3FB1] =	sst s3  }
0xc: {  	[smem:$0x3FB2] =	sst s4  }
0xd: {  	[smem:$0x3FB3] =	sst s5  }
0xe: {  	[smem:$0x3FB4] =	sst s6  }
0xf: {  	[smem:$0x3FB5] =	sst s7  }
0x10: {  	[smem:$0x3FB6] =	sst s8  }
0x11: {  	[smem:$0x3FB7] =	sst s9;
	s0 =	simm.s32 @!p0 $0x0  }
0x12: {  	s1 =	sld [smem:$0x3F9D];
	s0 =	simm.s32 @p0 $0x1  }
0x13: {  	[smem:$0x3FB8] =	sst s0;
	s0 =	simm.s32 @!p1 $0x0  }
0x14: {  	s2 =	sld [smem:$0x3F9C];
	s0 =	simm.s32 @p1 $0x1  }
0x15: {  	[smem:$0x3FB9] =	sst s0;
	s0 =	simm.s32 @!p2 $0x0  }
0x16: {  	s3 =	sld [smem:$0x3FDB];
	s0 =	simm.s32 @p2 $0x1  }
0x17: {  	s4 =	simm.s32 $0x1BF5;
	[smem:$0x3FBB] =	sst s0  }
0x18: {  	s0 =	sld [smem:$0x3F9E];
	_ =	swait.ge [sflag:s4], $0x0  }
0x19: {  	s7 =	sld [smem:$0x3F9F]  }
0x1a: {  	s8 =	sadd.s32 $0xFFFFE003, lr  }
0x1b: {  	s9 =	sadd.s32 $0xFFFFFEF7, lr;
	s5 =	simm.s32 $0xFFFFFFFF;
	p2 =	slt.u32 s8, $0xFFFFF086  }
0x1c: {  	p1 =	slt.u32 s9, $0xF7A;
	s5 =	simm.s32 @!p2 $0x0  }
0x1d: {  	s5 =	simm.s32 @p1 $0x1;
	p0 =	seq.s32 s7, s2  }
0x1e: {  	s7 =	smul.u32 @!p0 $0xF7A, s2;
	p2 =	seq.s32 @!p0 s5, $0x0  }
0x1f: {  	s9 =	smul.u32 $0xF7A, s1;
	s8 =	simm.s32 @!p0 $0x1BF5;
	p2 =	por !p2, p0  }
0x20: {  	[sflag:s8] =	ssyncset.s32 @!p0 $0xFFFFF086;
	s6 =	sadd.s32 @!p0 s3, s7;
	s7 =	simm.s32 @!p0 $0x108  }
0x21: {  	s3 =	sadd.s32 s3, s9;
	s6 =	sadd.s32 @!p0 $0x88, s6;
	s7 =	simm.s32 @p2 $0x1082  }
0x22: {  	[simem:s7], [sflag:s8] =	dma.local @!p0 [hbm:s6], $0xF7A  }
0x23: {  	s9 =	sor.u32 $0xD0000000, s2;
	s6 =	simm.s32 $0x108;
	_ =	swait.ge @!p0 [sflag:s8], $0x0  }
0x24: {  	s3 =	sadd.s32 $0x88, s3;
	s6 =	simm.s32 @!p1 $0x1082;
	[sflag:s4] =	ssyncset.s32 $0xFFFFF086  }
0x25: {  	[simem:s6], [sflag:s4] =	dma.local [hbm:s3], $0xF7A  }
0x26: {  	[smem:$0x3F9F] =	sst s1;
	(tag) =	ssettag s2;
	_ =	strace s9  }
0x27: {  	s1 =	sld [smem:$0x3FAF]  }
0x28: {  	s2 =	sld [smem:$0x3FB0]  }
0x29: {  	s4 =	sld [smem:$0x3FB2]  }
0x2a: {  	p0 =	seq.s32 s5, $0x0;
	s5 =	sld [smem:$0x3FB3]  }
0x2b: {  	s6 =	sld [smem:$0x3FB4]  }
0x2c: {  	s7 =	sld [smem:$0x3FB5]  }
0x2d: {  	s3 =	simm.s32 $0x108;
	s8 =	sld [smem:$0x3FB6]  }
0x2e: {  	s3 =	simm.s32 @!p0 $0x1082;
	s9 =	sld [smem:$0x3FB7]  }
0x2f: {  	lr =	sadd.s32 s0, s3;
	s0 =	sld [smem:$0x3FAE]  }
0x30: {  	s3 =	sld [smem:$0x3FB1]  }
0x31: {  	[smem:$0x3FBA] =	sst s10  }
0x32: {  	s10 =	sld [smem:$0x3FB8];
	_ =	sdelay $0x3  }
0x33: {  	p0 =	seq.s32 s10, $0x1;
	s10 =	sld [smem:$0x3FBA];
	_ =	sdelay $0x3  }
0x34: {  	[smem:$0x3FBA] =	sst s10  }
0x35: {  	s10 =	sld [smem:$0x3FB9];
	_ =	sdelay $0x3  }
0x36: {  	p1 =	seq.s32 s10, $0x1;
	s10 =	sld [smem:$0x3FBA];
	_ =	sdelay $0x3  }
0x37: {  	[smem:$0x3FBA] =	sst s10  }
0x38: {  	s10 =	sld [smem:$0x3FBB]  }
0x39: {  	_ = 	snop;
	(pc) =	sbr.ind lr, $3  }
0x3a: {  	_ = 	snop  }
0x3b: {  	_ = 	snop  }
0x3c: {  	p2 =	seq.s32 s10, $0x1;
	s10 =	sld [smem:$0x3FBA]  }
0x3d: {  	_ =	shalt  }
0x3e: {  	_ =	shalt  }
0x3f: {  	_ =	shalt  }
0x40: {  	_ =	shalt  }
0x41: {  	_ =	shalt  }
0x42: {  	_ =	shalt  }
0x43: {  	_ =	shalt  }
0x44: {  	_ =	shalt  }
0x45: {  	_ =	shalt  }
0x46: {  	_ =	shalt  }
0x47: {  	_ =	shalt  }
0x48: {  	_ =	shalt  }
0x49: {  	_ =	shalt  }
0x4a: {  	_ =	shalt  }
0x4b: {  	_ =	shalt  }
0x4c: {  	_ =	shalt  }
0x4d: {  	_ =	shalt  }
0x4e: {  	_ =	shalt  }
0x4f: {  	_ =	shalt  }
0x50: {  	_ =	shalt  }
0x51: {  	_ =	shalt  }
0x52: {  	_ =	shalt  }
0x53: {  	_ =	shalt  }
0x54: {  	_ =	shalt  }
0x55: {  	_ =	shalt  }
0x56: {  	_ =	shalt  }
0x57: {  	_ =	shalt  }
0x58: {  	_ =	shalt  }
0x59: {  	_ =	shalt  }
0x5a: {  	_ =	shalt  }
0x5b: {  	_ =	shalt  }
0x5c: {  	_ =	shalt  }
0x5d: {  	_ =	shalt  }
0x5e: {  	_ =	shalt  }
0x5f: {  	_ =	shalt  }
0x60: {  	_ =	shalt  }
0x61: {  	_ =	shalt  }
0x62: {  	_ =	shalt  }
0x63: {  	_ =	shalt  }
0x64: {  	_ =	shalt  }
0x65: {  	_ =	shalt  }
0x66: {  	_ =	shalt  }
0x67: {  	_ =	shalt  }
0x68: {  	_ =	shalt  }
0x69: {  	_ =	shalt  }
0x6a: {  	_ =	shalt  }
0x6b: {  	_ =	shalt  }
0x6c: {  	_ =	shalt  }
0x6d: {  	_ =	shalt  }
0x6e: {  	_ =	shalt  }
0x6f: {  	_ =	shalt  }
0x70: {  	_ =	shalt  }
0x71: {  	_ =	shalt  }
0x72: {  	_ =	shalt  }
0x73: {  	_ =	shalt  }
0x74: {  	_ =	shalt  }
0x75: {  	_ =	shalt  }
0x76: {  	_ =	shalt  }
0x77: {  	_ =	shalt  }
0x78: {  	_ =	shalt  }
0x79: {  	_ =	shalt  }
0x7a: {  	_ =	shalt  }
0x7b: {  	_ =	shalt  }
0x7c: {  	_ =	shalt  }
0x7d: {  	_ =	shalt  }
0x7e: {  	_ =	shalt  }
0x7f: {  	_ =	shalt  }
0x80: {  	_ =	shalt  }
0x81: {  	_ =	shalt  }
0x82: {  	_ =	shalt  }
0x83: {  	_ =	shalt  }
0x84: {  	_ =	shalt  }
0x85: {  	_ =	shalt  }
0x86: {  	_ =	shalt  }
0x87: {  	_ =	shalt  }
.Lfunc_end0:
.L_simem_size_0:
called_computation_lowered:
.L_overlay_start_0:
0x88: {  	s2 =	sld [smem:$0x3FD9]  }
0x89: {  	s3 =	sld [smem:$0x3FFE];
	_ =	sdelay $0x1  }
0x8a: {  	s1 =	srdreg.scid  }
0x8b: {  	s0 =	sand.u32 $0x1, s1  }
0x8c: {  	s17 =	sshll.u32 s0, $0xA;
	s2 =	sadd.s32 s3, s2  }
0x8d: {  	s2 =	sadd.s32 s2, s17  }
0x8e: {  	[smem:$0x3FC6] =	sst s2  }
0x8f: {  	_ = 	snop  }
0x90: {  	s2 =	sld [smem:$0x3FC8]  }
0x91: {  	s18 =	sld [smem:$0x3FD0];
	(tm) =	ssettm $0x1  }
0x92: {  	s4 =	sld [smem:$0x3FFB];
	_ =	sdelay $0x3  }
0x93: {  	_ =	strace s4  }
0x94: {  	s4 =	sld [smem:$0x3FFC];
	_ =	sdelay $0x3  }
0x95: {  	_ =	strace s4  }
0x96: {  	s4 =	sld [smem:$0x3FFD];
	_ =	sdelay $0x3  }
0x97: {  	_ =	strace s4  }
0x98: {  	_ =	strace $0x8FFFFFFF  }
0x99: {  	s19 =	sld [smem:$0x3FDB];
	_ =	sdelay $0x1  }
0x9a: {  	s5 =	simm.s32 $_scs_section_size  }
0x9b: {  	s6 =	simm.s32 $_size__tile_overlayer_lowered;
	s7 =	simm.s32 $_tile_overlayer_lowered  }
0x9c: {  	s22 =	simm.s32 $0x1BFF;
	s21 =	sshll.u32 s7, $0x1;
	s4 =	sadd.s32 s5, s19  }
0x9d: {  	s8 =	simm.s32 $0x0;
	s20 =	sshll.u32 s6, $0x1;
	s6 =	sadd.s32 s21, s4  }
0x9e: {  	[timem:s8], [sflag:s22] =	dma.local [hbm:s6], s20  }
0x9f: {  	_ =	swait.ge [sflag:s22], s20  }
0xa0: {  	s5 =	ssub.s32 $0x0, s20;
	[sflag:s22] =	ssyncset.done $0x0  }
0xa1: {  	[sflag:s22] =	ssyncadd.s32 s5;
	_ =	sdelay $0x1  }
0xa2: {  	s23 =	simm.s32 $0x1B8B  }
0xa3: {  	_ =	swait.ge [sflag:s23], $0x1  }
0xa4: {  	[sflag:s23] =	ssyncset.done $0x0  }
0xa5: {  	s25 =	simm.s32 $0x1B8E;
	s24 =	sld [smem:$0x3FFE];
	[sflag:s23] =	ssyncadd.s32 $0xFFFFFFFF  }
0xa6: {  	s26 =	simm.s32 $execute0_lowered;
	[smem:$0x3FD2] =	sst s25  }
0xa7: {  	s6 =	sshll.u32 s26, $0x1;
	_ =	strace $0x80000046;
	[dreg:$0x1] =	wrdreg $0xFFFFFFFF  }
0xa8: {  	s28 =	simm.s32 $_size_execute0_lowered;
	s4 =	sadd.s32 s4, s6;
	[dreg:$0x0] =	wrdreg $0x0  }
0xa9: {  	s6 =	sshll.u32 s28, $0x1;
	[dreg:$0x2] =	wrdreg s4  }
0xaa: {  	[dreg:$0x3] =	wrdreg s6  }
0xab: {  	[dreg:$0x4] =	wrdreg $0xC0  }
0xac: {  	_ =	task [dreg:s8], $0x5FFFF  }
0xad: {  	[dreg:$0x1] =	wrdreg $0xFFFFFFFF  }
0xae: {  	[dreg:$0x0] =	wrdreg $0x60  }
0xaf: {  	[dreg:$0x2] =	wrdreg s24  }
0xb0: {  	[dreg:$0x3] =	wrdreg s2  }
0xb1: {  	[dreg:$0x4] =	wrdreg s18  }
0xb2: {  	[dreg:$0x5] =	wrdreg $0x9  }
0xb3: {  	_ =	task.clear_ibuf [dreg:s8], $0x6FFFF;
	_ =	strace $0x90000046  }
0xb4: {  	s29 =	simm.s32 $0x9;
	_ =	strace $0x80000048  }
0xb5: {  	_ =	swait.ge [sflag:s29], $0x1  }
0xb6: {  	[sflag:s29] =	ssyncadd.s32 $0xFFFFFFFF  }
0xb7: {  	_ =	strace $0x90000048  }
0xb8: {  	_ =	sfence  }
0xb9: {  	s30 =	sld [smem:$0x0];
	_ =	sdelay $0x2  }
0xba: {  	s31 =	sshll.u32 s1, $0xD;
	s1 =	sshrl.u32 s1, $0x2  }
0xbb: {  	s3 =	sand.u32 $0x4000, s31;
	s1 =	sadd.s32 s1, s30  }
0xbc: {  	s0 =	sor.u32 s3, s0;
	s1 =	sshll.u32 s1, $0x11  }
0xbd: {  	s0 =	sor.u32 s1, s0  }
0xbe: {  	s0 =	sadd.s32 $0x8F2B, s0  }
0xbf: {  	[sflag:s0] =	ssyncadd.remote.s32 $0x1  }
0xc0: {  	_ =	sfence.sel $0xFFFF  }
0xc1: {  	[dreg:$0x0] =	wrdreg $0xFFFFFFFF;
	(pc) =	sbr.abs _section_cstart, $3  }
0xc2: {  	[dreg:$0x1] =	wrdreg $0xFFFFFFFF  }
0xc3: {  	_ =	task.clear_ibuf [dreg:s8], $0x2FFFF;
	_ =	strace $0x9FFFFFFF  }
0xc4: {  	(tm) =	ssettm $0x7FFFFFFF  }
0xc5: {  	_ =	shalt  }
tec
execute0_lowered:
.L_overlay_start_1:
0x0: {  	(tag) =	ssettag $0x1  }
0x1: {  	s4 =	rddreg [dreg:$0x0]  }
0x2: {  	s1 =	srdreg.scid;
	s2 =	rddreg [dreg:$0x1]  }
0x3: {  	s0 =	stileid.u32;
	s8 =	rddreg [dreg:$0x2];
	s3 =	simm.s32 $0x0  }
0x4: {  	v0 =	vimm.s32 $0xFEDCBA98;
	v1 =	vimm.s32 $0x76543210;
	s13 =	simm.s32 $0xA400;
	s14 =	simm.s32 $0x1;
	s11 =	smul.u32 $0x640000, s0  }
0x5: {  	v2 =	vimm.s32 $0xBA98FEDC;
	v3 =	vimm.s32 $0x32107654;
	s15 =	simm.s32 $0x2;
	s7 =	sand.u32 $0x1, s1;
	s28 =	smul.u32 $0xC8000, s0  }
0x6: {  	v4 =	vimm.s32 $0xDCFE98BA;
	v5 =	vimm.s32 $0x54761032;
	s16 =	simm.s32 $0x6380;
	s22 =	sshll.u32 s0, $0x1;
	s12 =	smul.u32 $0x320000, s7  }
0x7: {  	v6 =	vimm.s32 $0xEFCDAB89;
	v7 =	vimm.s32 $0x67452301;
	s17 =	simm.s32 $0x0;
	s5 =	sor.u32 s7, s22;
	s29 =	smul.u32 $0x64000, s7  }
0x8: {  	s1 =	rddreg [dreg:$0x3];
	v0 =	vunpack.c.l.s4.s8 v0;
	v1 =	vunpack.c.l.s4.s8 v1;
	v2 =	vunpack.c.l.s4.s8 v2;
	s24 =	ssub.s32 $0x2, s7;
	s6 =	smul.u32 $0x6400, s5  }
0x9: {  	[smem:$0x7FF] =	sst s3;
	v3 =	vunpack.c.l.s4.s8 v3;
	v4 =	vunpack.c.l.s4.s8 v4;
	v5 =	vunpack.c.l.s4.s8 v5;
	s9 =	smul.u32 $0x320000, s5;
	s25 =	sshrl.u32 s24, $0x1  }
0xa: {  	v6 =	vunpack.c.l.s4.s8 v6;
	v7 =	vunpack.c.l.s4.s8 v7;
	_ =	strace $0x80000047;
	s10 =	smul.u32 $0x64000, s5;
	v0 =	vunpack.c.0.s8.s32 v0;
	s5 =	ssub.s32 s24, s25  }
0xb: {  	v2 =	vunpack.c.0.s8.s32 v2;
	v3 =	vunpack.c.0.s8.s32 v3;
	v4 =	vunpack.c.0.s8.s32 v4;
	s11 =	sadd.s32 s12, s11;
	s12 =	simm.s32 $0x80;
	s23 =	sshrl.u32 s6, $0x3  }
0xc: {  	v5 =	vunpack.c.0.s8.s32 v5;
	v6 =	vunpack.c.0.s8.s32 v6;
	v7 =	vunpack.c.0.s8.s32 v7;
	s26 =	sshrl.u32 s9, $0x3;
	s5 =	smax.u32 s5, $0x1;
	s30 =	sadd.s32 s8, s10  }
0xd: {  	v1 =	vunpack.c.0.s8.s32 v1;
	s31 =	sshrl.u32 s11, $0x3;
	s9 =	sadd.s32 s28, s8;
	v2 =	vcombine.low v3, v2;
	s10 =	simm.s32 $0x3  }
0xe: {  	v3 =	vcombine.low v5, v4;
	v4 =	vcombine.low v7, v6;
	v0 =	vand.u32 $0xF, v0;
	s11 =	simm.s32 $0x6400;
	s4 =	sadd.s32 s23, s4;
	s6 =	sadd.s32 s8, s26  }
0xf: {  	vm0 =	vmmov $0xff;
	s7 =	sadd.s32 $0x63800, s30;
	s8 =	sadd.s32 s31, s8;
	s9 =	sadd.s32 s29, s9;
	v0 =	vcombine.low v0, v1  }
0x10: {  	s4 =	sadd.s32 $0x400, s4;
	s6 =	sadd.s32 $0x63000, s6;
	s9 =	sadd.s32 $0x800, s9;
	v1 =	vand.u32 $0xF, v2;
	v2 =	vand.u32 $0xF, v3;
	v3 =	vand.u32 $0xF, v4  }
.LBB2_1:
0x11: {  	[tilespmem:s3], [sflag:$0x3] =	stream.linear.gather [hbm4b:s4+s3], $0x6400, $0x38;
	[tilespmem:$0xE400] =	vst v63  }
0x12: {  	_ =	swait.ge [sflag:s10], $0x6400  }
0x13: {  	[sflag:s10] =	ssyncset.done $0x0  }
0x14: {  	s18 =	simm.s32 $0xC0;
	[sflag:s10] =	ssyncadd.s32 $0xFFFF9C00  }
0x15: {  	v12 =	vld [tilespmem:s18+$0x10]  }
0x16: {  	v13 =	vld [tilespmem:s18+$0x0]  }
0x17: {  	v14 =	vld [tilespmem:s18+$0xFFFFFF40]  }
0x18: {  	v15 =	vld [tilespmem:s18+$0x20]  }
0x19: {  	v16 =	vld [tilespmem:s18+$0xFFFFFF50]  }
0x1a: {  	v17 =	vld [tilespmem:s18+$0x30]  }
0x1b: {  	s19 =	sand.u32 $0x7FF0, s3;
	v19 =	vld [tilespmem:s18+$0xFFFFFF60];
	v4 =	vnsel vm0, $0x7FFFFFFF, v13;
	v5 =	vsel vm0, $0x7FFFFFFF, v13  }
0x1c: {  	v21 =	vld [tilespmem:s19+$0x100];
	vm1 =	vlt.s32 v4, v14;
	vm2 =	vlt.s32 v5, v12  }
0x1d: {  	v20 =	vld [tilespmem:s18+$0xFFFFFF70];
	v4 =	vsel vm1, v4, v14;
	v5 =	vsel vm2, v5, v12  }
0x1e: {  	v29 =	vld [tilespmem:s18+$0x50];
	vm1 =	vlt.s32 v4, v16;
	vm2 =	vlt.s32 v5, v15  }
0x1f: {  	v22 =	vld [tilespmem:s18+$0xFFFFFF80];
	v4 =	vsel vm1, v4, v16;
	v5 =	vsel vm2, v5, v15  }
0x20: {  	v30 =	vld [tilespmem:s18+$0x60];
	vm1 =	vlt.s32 v4, v19;
	vm2 =	vlt.s32 v5, v17  }
0x21: {  	v26 =	vld [tilespmem:s18+$0xFFFFFF90];
	v6 =	vsel vm1, v4, v19;
	v5 =	vsel vm2, v5, v17  }
0x22: {  	v27 =	vld [tilespmem:s18+$0xFFFFFFA0];
	vm1 =	vlt.s32 v6, v20;
	vm2 =	vlt.s32 v5, v21  }
0x23: {  	v4 =	vld [tilespmem:s18+$0x70];
	v6 =	vsel vm1, v6, v20;
	v5 =	vsel vm2, v5, v21  }
0x24: {  	v31 =	vld [tilespmem:s18+$0x80];
	vm1 =	vlt.s32 v6, v22;
	vm2 =	vlt.s32 v5, v29  }
0x25: {  	v28 =	vld [tilespmem:s18+$0xFFFFFFB0];
	v6 =	vsel vm1, v6, v22;
	v5 =	vsel vm2, v5, v29  }
0x26: {  	v18 =	vld [tilespmem:s19+$0x80];
	vm1 =	vlt.s32 v6, v26;
	vm2 =	vlt.s32 v5, v30  }
0x27: {  	v8 =	vld [tilespmem:s18+$0x90];
	v6 =	vsel vm1, v6, v26;
	v7 =	vsel vm2, v5, v30  }
0x28: {  	v9 =	vld [tilespmem:s18+$0xFFFFFFD0];
	vm1 =	vlt.s32 v6, v27;
	vm2 =	vlt.s32 v7, v4  }
0x29: {  	v5 =	vld [tilespmem:s18+$0xA0];
	v6 =	vsel vm1, v6, v27;
	v11 =	vsel vm2, v7, v4  }
0x2a: {  	v10 =	vld [tilespmem:s18+$0xFFFFFFE0];
	vm1 =	vlt.s32 v6, v28;
	vm2 =	vlt.s32 v11, v31  }
0x2b: {  	v7 =	vld [tilespmem:s18+$0xB0];
	v23 =	vsel vm1, v6, v28;
	v24 =	vsel vm2, v11, v31  }
0x2c: {  	v6 =	vld [tilespmem:s19+$0x180];
	vm1 =	vlt.s32 v23, v18;
	vm2 =	vlt.s32 v24, v8  }
0x2d: {  	v11 =	vld [tilespmem:s18+$0xFFFFFFF0];
	v23 =	vsel vm1, v23, v18;
	v24 =	vsel vm2, v24, v8  }
0x2e: {  	vm1 =	vlt.s32 v23, v9;
	vm2 =	vlt.s32 v24, v5  }
0x2f: {  	v23 =	vsel vm1, v23, v9;
	v24 =	vsel vm2, v24, v5  }
0x30: {  	vm1 =	vlt.s32 v23, v10;
	vm2 =	vlt.s32 v24, v7  }
0x31: {  	v23 =	vsel vm1, v23, v10;
	v24 =	vsel vm2, v24, v7  }
0x32: {  	vm1 =	vlt.s32 v23, v11;
	vm2 =	vlt.s32 v24, v6  }
0x33: {  	v23 =	vsel vm1, v23, v11;
	v24 =	vsel vm2, v24, v6  }
0x34: {  	v25 =	vperm.xlane v23, v0;
	v32 =	vperm.xlane v24, v0;
	_ =	sdelay $0x1  }
0x35: {  	vm1 =	vlt.s32 v23, v25;
	vm2 =	vlt.s32 v24, v32  }
0x36: {  	v23 =	vsel vm1, v23, v25;
	v24 =	vsel vm2, v24, v32  }
0x37: {  	v25 =	vperm.xlane v23, v1;
	v32 =	vperm.xlane v24, v1;
	_ =	sdelay $0x1  }
0x38: {  	vm1 =	vlt.s32 v23, v25;
	vm2 =	vlt.s32 v24, v32  }
0x39: {  	v23 =	vsel vm1, v23, v25;
	v24 =	vsel vm2, v24, v32  }
0x3a: {  	v25 =	vperm.xlane v23, v2;
	v32 =	vperm.xlane v24, v2;
	_ =	sdelay $0x1  }
0x3b: {  	vm1 =	vlt.s32 v23, v25;
	vm2 =	vlt.s32 v24, v32  }
0x3c: {  	v23 =	vsel vm1, v23, v25;
	v25 =	vsel vm2, v24, v32  }
0x3d: {  	v24 =	vperm.xlane v23, v3;
	v32 =	vperm.xlane v25, v3;
	_ =	sdelay $0x1  }
0x3e: {  	vm1 =	vlt.s32 v23, v24;
	vm2 =	vlt.s32 v25, v32  }
0x3f: {  	v24 =	vsel vm1, v23, v24;
	v23 =	vsel vm2, v25, v32  }
0x40: {  	v25 =	vsub.s32 v14, v24;
	v14 =	vsub.s32 v16, v24;
	v18 =	vsub.s32 v18, v24  }
0x41: {  	v16 =	vsub.s32 v20, v24;
	v20 =	vsub.s32 v28, v24;
	v26 =	vsub.s32 v26, v24;
	[tilespmem:s18+$0xFFFFFF50] =	vst v14  }
0x42: {  	v28 =	vsub.s32 v12, v23;
	v12 =	vsub.s32 v31, v23;
	v14 =	vsub.s32 v19, v24;
	[tilespmem:s18+$0xFFFFFFB0] =	vst v20  }
0x43: {  	v19 =	vsub.s32 v22, v24;
	v22 =	vsub.s32 v27, v24;
	v20 =	vsel vm0, v24, v23;
	[tilespmem:s18+$0xFFFFFF70] =	vst v16  }
0x44: {  	v27 =	vsub.s32 v17, v23;
	[tilespmem:s18+$0xFFFFFFA0] =	vst v22;
	v22 =	vsub.s32 v15, v23;
	v20 =	vsub.s32 v13, v20  }
0x45: {  	s20 =	simm.s32 $0x190;
	s21 =	simm.s32 $0xC0;
	[tilespmem:s18+$0xFFFFFF60] =	vst v14;
	v14 =	vsub.s32 v21, v23;
	v15 =	vsub.s32 v29, v23;
	v13 =	vsub.s32 v30, v23  }
.LBB2_2:
0x46: {  	p0 =	sne.s32 s20, $0x6270  }
0x47: {  	[tilespmem:s18+$0xFFFFFF40] =	vst v25;
	v4 =	vsub.s32 v4, v23;
	v8 =	vsub.s32 v8, v23;
	s21 =	sadd.s32 $0x190, s21;
	s22 =	smov.u32 s20;
	s20 =	sadd.s32 $0x190, s20  }
0x48: {  	[tilespmem:s18+$0xFFFFFF90] =	vst v26  }
0x49: {  	[tilespmem:s18+$0xFFFFFF80] =	vst v19  }
0x4a: {  	[tilespmem:s19+$0x80] =	vst v18  }
0x4b: {  	[tilespmem:s18+$0x30] =	vst v27  }
0x4c: {  	[tilespmem:s18+$0x20] =	vst v22  }
0x4d: {  	[tilespmem:s18+$0x10] =	vst v28  }
0x4e: {  	v11 =	vsub.s32 v11, v24;
	[tilespmem:s18+$0x0] =	vst v20  }
0x4f: {  	v9 =	vsub.s32 v9, v24;
	[tilespmem:s18+$0xFFFFFFF0] =	vst v11  }
0x50: {  	[tilespmem:s18+$0xFFFFFFD0] =	vst v9;
	v9 =	vsub.s32 v10, v24  }
0x51: {  	[tilespmem:s18+$0xFFFFFFE0] =	vst v9  }
0x52: {  	[tilespmem:s19+$0x100] =	vst v14  }
0x53: {  	v7 =	vsub.s32 v7, v23;
	[tilespmem:s18+$0x50] =	vst v15  }
0x54: {  	v5 =	vsub.s32 v5, v23;
	[tilespmem:s18+$0xB0] =	vst v7  }
0x55: {  	[tilespmem:s18+$0xA0] =	vst v5  }
0x56: {  	[tilespmem:s18+$0x60] =	vst v13  }
0x57: {  	[tilespmem:s18+$0x80] =	vst v12  }
0x58: {  	v5 =	vsub.s32 v6, v23;
	[tilespmem:s18+$0x90] =	vst v8  }
0x59: {  	[tilespmem:s18+$0x70] =	vst v4;
	s18 =	smov.u32 s21  }
0x5a: {  	[tilespmem:s19+$0x180] =	vst v5  }
0x5b: {  	v12 =	vld [tilespmem:s21+$0x10]  }
0x5c: {  	v13 =	vld [tilespmem:s21+$0x0]  }
0x5d: {  	v18 =	vld [tilespmem:s21+$0xFFFFFF40]  }
0x5e: {  	v14 =	vld [tilespmem:s21+$0x20]  }
0x5f: {  	v19 =	vld [tilespmem:s21+$0xFFFFFF50]  }
0x60: {  	v15 =	vld [tilespmem:s21+$0x30]  }
0x61: {  	s19 =	sand.u32 $0x7FF0, s22;
	v20 =	vld [tilespmem:s21+$0xFFFFFF60];
	v4 =	vnsel vm0, $0x7FFFFFFF, v13;
	v5 =	vsel vm0, $0x7FFFFFFF, v13  }
0x62: {  	v16 =	vld [tilespmem:s19+$0x100];
	vm1 =	vlt.s32 v4, v18;
	vm2 =	vlt.s32 v5, v12  }
0x63: {  	v22 =	vld [tilespmem:s21+$0xFFFFFF70];
	v4 =	vsel vm1, v4, v18;
	v5 =	vsel vm2, v5, v12  }
0x64: {  	v17 =	vld [tilespmem:s21+$0x50];
	vm1 =	vlt.s32 v4, v19;
	vm2 =	vlt.s32 v5, v14  }
0x65: {  	v26 =	vld [tilespmem:s21+$0xFFFFFF80];
	v4 =	vsel vm1, v4, v19;
	v5 =	vsel vm2, v5, v14  }
0x66: {  	v21 =	vld [tilespmem:s21+$0x60];
	vm1 =	vlt.s32 v4, v20;
	vm2 =	vlt.s32 v5, v15  }
0x67: {  	v27 =	vld [tilespmem:s21+$0xFFFFFF90];
	v6 =	vsel vm1, v4, v20;
	v5 =	vsel vm2, v5, v15  }
0x68: {  	v4 =	vld [tilespmem:s21+$0x70];
	vm1 =	vlt.s32 v6, v22;
	vm2 =	vlt.s32 v5, v16  }
0x69: {  	v28 =	vld [tilespmem:s21+$0xFFFFFFA0];
	v6 =	vsel vm1, v6, v22;
	v5 =	vsel vm2, v5, v16  }
0x6a: {  	v29 =	vld [tilespmem:s21+$0x80];
	vm1 =	vlt.s32 v6, v26;
	vm2 =	vlt.s32 v5, v17  }
0x6b: {  	v30 =	vld [tilespmem:s21+$0xFFFFFFB0];
	v6 =	vsel vm1, v6, v26;
	v5 =	vsel vm2, v5, v17  }
0x6c: {  	v31 =	vld [tilespmem:s19+$0x80];
	vm1 =	vlt.s32 v6, v27;
	vm2 =	vlt.s32 v5, v21  }
0x6d: {  	v8 =	vld [tilespmem:s21+$0x90];
	v6 =	vsel vm1, v6, v27;
	v7 =	vsel vm2, v5, v21  }
0x6e: {  	v5 =	vld [tilespmem:s21+$0xA0];
	vm1 =	vlt.s32 v6, v28;
	vm2 =	vlt.s32 v7, v4  }
0x6f: {  	v9 =	vld [tilespmem:s21+$0xFFFFFFD0];
	v6 =	vsel vm1, v6, v28;
	v11 =	vsel vm2, v7, v4  }
0x70: {  	v7 =	vld [tilespmem:s21+$0xB0];
	vm1 =	vlt.s32 v6, v30;
	vm2 =	vlt.s32 v11, v29  }
0x71: {  	v10 =	vld [tilespmem:s21+$0xFFFFFFE0];
	v23 =	vsel vm1, v6, v30;
	v24 =	vsel vm2, v11, v29  }
0x72: {  	v6 =	vld [tilespmem:s19+$0x180];
	vm1 =	vlt.s32 v23, v31;
	vm2 =	vlt.s32 v24, v8  }
0x73: {  	v11 =	vld [tilespmem:s21+$0xFFFFFFF0];
	v23 =	vsel vm1, v23, v31;
	v24 =	vsel vm2, v24, v8  }
0x74: {  	vm1 =	vlt.s32 v23, v9;
	vm2 =	vlt.s32 v24, v5  }
0x75: {  	v23 =	vsel vm1, v23, v9;
	v24 =	vsel vm2, v24, v5  }
0x76: {  	vm1 =	vlt.s32 v23, v10;
	vm2 =	vlt.s32 v24, v7  }
0x77: {  	v23 =	vsel vm1, v23, v10;
	v24 =	vsel vm2, v24, v7  }
0x78: {  	vm1 =	vlt.s32 v23, v11;
	vm2 =	vlt.s32 v24, v6  }
0x79: {  	v23 =	vsel vm1, v23, v11;
	v24 =	vsel vm2, v24, v6  }
0x7a: {  	v25 =	vperm.xlane v23, v0;
	v32 =	vperm.xlane v24, v0;
	_ =	sdelay $0x1  }
0x7b: {  	vm1 =	vlt.s32 v23, v25;
	vm2 =	vlt.s32 v24, v32  }
0x7c: {  	v23 =	vsel vm1, v23, v25;
	v24 =	vsel vm2, v24, v32  }
0x7d: {  	v25 =	vperm.xlane v23, v1;
	v32 =	vperm.xlane v24, v1;
	_ =	sdelay $0x1  }
0x7e: {  	vm1 =	vlt.s32 v23, v25;
	vm2 =	vlt.s32 v24, v32  }
0x7f: {  	v23 =	vsel vm1, v23, v25;
	v24 =	vsel vm2, v24, v32  }
0x80: {  	v25 =	vperm.xlane v23, v2;
	v32 =	vperm.xlane v24, v2;
	_ =	sdelay $0x1  }
0x81: {  	vm1 =	vlt.s32 v23, v25;
	vm2 =	vlt.s32 v24, v32  }
0x82: {  	v23 =	vsel vm1, v23, v25;
	v25 =	vsel vm2, v24, v32  }
0x83: {  	v24 =	vperm.xlane v23, v3;
	v32 =	vperm.xlane v25, v3;
	_ =	sdelay $0x1  }
0x84: {  	vm1 =	vlt.s32 v23, v24;
	vm2 =	vlt.s32 v25, v32  }
0x85: {  	v24 =	vsel vm1, v23, v24;
	v23 =	vsel vm2, v25, v32  }
0x86: {  	v25 =	vsub.s32 v18, v24;
	v19 =	vsub.s32 v19, v24;
	v18 =	vsub.s32 v31, v24  }
.Ltmp0:
0x87: {  	v20 =	vsub.s32 v20, v24;
	v31 =	vsub.s32 v22, v24;
	v22 =	vsub.s32 v30, v24;
	[tilespmem:s21+$0xFFFFFF50] =	vst v19;
	(pc) =	sbr.rel @p0 .LBB2_2-.Ltmp0, $4  }
0x88: {  	v19 =	vsub.s32 v26, v24;
	v26 =	vsub.s32 v27, v24;
	v27 =	vsub.s32 v28, v24;
	[tilespmem:s21+$0xFFFFFFB0] =	vst v22  }
0x89: {  	v28 =	vsel vm0, v24, v23;
	v22 =	vsub.s32 v14, v23;
	[tilespmem:s21+$0xFFFFFFA0] =	vst v27;
	v27 =	vsub.s32 v15, v23  }
0x8a: {  	v14 =	vsub.s32 v16, v23;
	[tilespmem:s21+$0xFFFFFF60] =	vst v20;
	v20 =	vsub.s32 v13, v28;
	v28 =	vsub.s32 v12, v23  }
0x8b: {  	v15 =	vsub.s32 v17, v23;
	v13 =	vsub.s32 v21, v23;
	v12 =	vsub.s32 v29, v23;
	[tilespmem:s21+$0xFFFFFF70] =	vst v31  }
0x8c: {  	[tilespmem:s18+$0xFFFFFF40] =	vst v25  }
0x8d: {  	[tilespmem:s18+$0xFFFFFF90] =	vst v26  }
0x8e: {  	[tilespmem:s18+$0xFFFFFF80] =	vst v19  }
0x8f: {  	[tilespmem:s19+$0x80] =	vst v18  }
0x90: {  	[tilespmem:s18+$0x30] =	vst v27  }
0x91: {  	[tilespmem:s18+$0x20] =	vst v22  }
0x92: {  	[tilespmem:s18+$0x10] =	vst v28  }
0x93: {  	v11 =	vsub.s32 v11, v24;
	[tilespmem:s18+$0x0] =	vst v20  }
0x94: {  	v9 =	vsub.s32 v9, v24;
	[tilespmem:s18+$0xFFFFFFF0] =	vst v11  }
0x95: {  	v63 =	vsub.s32 v10, v24;
	[tilespmem:s18+$0xFFFFFFD0] =	vst v9  }
0x96: {  	[tilespmem:s18+$0xFFFFFFE0] =	vst v63  }
0x97: {  	[tilespmem:s19+$0x100] =	vst v14  }
0x98: {  	v7 =	vsub.s32 v7, v23;
	[tilespmem:s18+$0x50] =	vst v15  }
0x99: {  	v5 =	vsub.s32 v5, v23;
	[tilespmem:s18+$0xB0] =	vst v7  }
0x9a: {  	[tilespmem:s18+$0xA0] =	vst v5  }
0x9b: {  	[tilespmem:s18+$0x60] =	vst v13  }
0x9c: {  	v4 =	vsub.s32 v4, v23;
	[tilespmem:s18+$0x80] =	vst v12  }
0x9d: {  	v5 =	vsub.s32 v8, v23;
	[tilespmem:s18+$0x70] =	vst v4  }
0x9e: {  	[tilespmem:s18+$0x90] =	vst v5;
	v5 =	vsub.s32 v6, v23  }
0x9f: {  	s28 =	simm.s32 $0x0;
	s18 =	simm.s32 $0x80;
	[tilespmem:s19+$0x180] =	vst v5  }
0xa0: {  	[tilespmem:s11], [sflag:$0x1] =	stream.indirect.gather [hbm4b:s2+s18], $0x80, s28, s18, $0xb8;
	[tilespmem:$0xE400] =	vst v63  }
0xa1: {  	_ = 	snop  }
0xa2: {  	[tilespmem:s13], [sflag:$0x2] =	stream.indirect.gather [hbm4b:s2+s12], $0x80, s18, s12, $0xb8;
	[tilespmem:$0xE400] =	vst v63  }
0xa3: {  	_ =	swait.ge [sflag:s14], $0x4000  }
0xa4: {  	[sflag:s14] =	ssyncset.done $0x0  }
0xa5: {  	s29 =	sadd.s32 $0x0, s8;
	[sflag:s14] =	ssyncadd.s32 $0xFFFFC000  }
0xa6: {  	[hbm4b:s29+s3] =	stream.linear.scatter [tilespmem:s11], [sflag:$0x3], $0x4000, $0x38;
	[tilespmem:$0xE400] =	vst v63  }
0xa7: {  	_ =	swait.ge [sflag:s10], $0x4000  }
0xa8: {  	[sflag:s10] =	ssyncset.done $0x0  }
0xa9: {  	s30 =	simm.s32 $0x100;
	[sflag:s10] =	ssyncadd.s32 $0xFFFFC000  }
0xaa: {  	[tilespmem:s11], [sflag:$0x1] =	stream.indirect.gather [hbm4b:s2+s12], $0x80, s30, s12, $0xb8;
	[tilespmem:$0xE400] =	vst v63  }
0xab: {  	_ =	swait.ge [sflag:s15], $0x4000  }
0xac: {  	[sflag:s15] =	ssyncset.done $0x0  }
0xad: {  	s31 =	sadd.s32 $0x0, s9;
	[sflag:s15] =	ssyncadd.s32 $0xFFFFC000  }
0xae: {  	[hbm4b:s31+s3] =	stream.linear.scatter [tilespmem:s13], [sflag:$0x3], $0x4000, $0x38;
	[tilespmem:$0xE400] =	vst v63  }
0xaf: {  	_ =	swait.ge [sflag:s10], $0x4000  }
0xb0: {  	s19 =	simm.s32 $0x1000;
	[sflag:s10] =	ssyncset.done $0x0  }
.LBB2_4:
0xb1: {  	p0 =	sne.s32 s19, $0x62000;
	[sflag:s10] =	ssyncadd.s32 $0xFFFFC000;
	s18 =	sadd.s32 $0x100, s18  }
0xb2: {  	[tilespmem:s13], [sflag:$0x2] =	stream.indirect.gather [hbm4b:s2+s12], $0x80, s18, s12, $0xb8;
	[tilespmem:$0xE400] =	vst v63  }
0xb3: {  	s20 =	smov.u32 s19;
	s19 =	sadd.s32 $0x1000, s19;
	_ =	swait.ge [sflag:s14], $0x4000  }
0xb4: {  	[sflag:s14] =	ssyncset.done $0x0  }
0xb5: {  	s21 =	sadd.s32 s20, s8;
	[sflag:s14] =	ssyncadd.s32 $0xFFFFC000  }
0xb6: {  	[hbm4b:s21+s3] =	stream.linear.scatter [tilespmem:s11], [sflag:$0x3], $0x4000, $0x38;
	[tilespmem:$0xE400] =	vst v63  }
0xb7: {  	_ =	swait.ge [sflag:s10], $0x4000  }
0xb8: {  	[sflag:s10] =	ssyncset.done $0x0  }
0xb9: {  	s21 =	sadd.s32 $0x80, s18;
	[sflag:s10] =	ssyncadd.s32 $0xFFFFC000  }
0xba: {  	[tilespmem:s11], [sflag:$0x1] =	stream.indirect.gather [hbm4b:s2+s12], $0x80, s21, s12, $0xb8;
	[tilespmem:$0xE400] =	vst v63  }
0xbb: {  	_ =	swait.ge [sflag:s15], $0x4000  }
.Ltmp1:
0xbc: {  	[sflag:s15] =	ssyncset.done $0x0;
	(pc) =	sbr.rel @p0 .LBB2_4-.Ltmp1, $4  }
0xbd: {  	s20 =	sadd.s32 s20, s9;
	[sflag:s15] =	ssyncadd.s32 $0xFFFFC000  }
0xbe: {  	[hbm4b:s20+s3] =	stream.linear.scatter [tilespmem:s13], [sflag:$0x3], $0x4000, $0x38;
	[tilespmem:$0xE400] =	vst v63  }
0xbf: {  	_ =	swait.ge [sflag:s10], $0x4000  }
0xc0: {  	[sflag:s10] =	ssyncset.done $0x0  }
0xc1: {  	[sflag:s10] =	ssyncadd.s32 $0xFFFFC000  }
0xc2: {  	[tilespmem:s13], [sflag:$0x2] =	stream.indirect.gather [hbm4b:s2+s12], $0x80, s16, s12, $0xb8;
	[tilespmem:$0xE400] =	vst v63  }
0xc3: {  	_ =	swait.ge [sflag:s14], $0x4000  }
0xc4: {  	[sflag:s14] =	ssyncset.done $0x0  }
0xc5: {  	[sflag:s14] =	ssyncadd.s32 $0xFFFFC000  }
0xc6: {  	[hbm4b:s6+s3] =	stream.linear.scatter [tilespmem:s11], [sflag:$0x3], $0x4000, $0x38;
	[tilespmem:$0xE400] =	vst v63  }
0xc7: {  	_ =	swait.ge [sflag:s10], $0x4000  }
0xc8: {  	[sflag:s10] =	ssyncset.done $0x0  }
0xc9: {  	[sflag:s10] =	ssyncadd.s32 $0xFFFFC000  }
0xca: {  	s17 =	sadd.s32 $0x1, s17;
	_ =	swait.ge [sflag:s15], $0x4000  }
0xcb: {  	p0 =	sne.s32 s17, s5;
	[sflag:s15] =	ssyncset.done $0x0  }
.Ltmp2:
0xcc: {  	[sflag:s15] =	ssyncadd.s32 $0xFFFFC000;
	(pc) =	sbr.rel @p0 .LBB2_1-.Ltmp2, $4  }
0xcd: {  	[hbm4b:s7+s3] =	stream.linear.scatter [tilespmem:s13], [sflag:$0x3], $0x4000, $0x38;
	[tilespmem:$0xE400] =	vst v63  }
0xce: {  	_ =	swait.ge [sflag:s10], $0x4000  }
0xcf: {  	[sflag:s10] =	ssyncset.done $0x0  }
0xd0: {  	[sflag:s10] =	ssyncadd.s32 $0xFFFFC000  }
0xd1: {  	_ =	sfence.sel $0x180000  }
0xd2: {  	[bflag:$0x0] =	sbarrier.arrive $0xFFFF  }
0xd3: {  	p0 =	sne.s32 s0, $0x0;
	_ =	strace $0x90000047  }
0xd4: {  	s0 =	sadd.s32 @!p0 $0x100000, s1;
	[bflag:$0x2] =	sbarrier.arrive $0xFFFF  }
0xd5: {  	[sflag:s0] =	ssyncadd.tile.s32 @!p0 $0x1;
	_ =	shalt  }
.Lfunc_end2:
_tile_overlayer_lowered:
.L_overlay_start_2:
0xd6: {  	(tag) =	ssettag $0x2  }
0xd7: {  	s0 =	rddreg [dreg:$0x0];
	s2 =	stileid.u32  }
0xd8: {  	s1 =	rddreg [dreg:$0x1];
	p0 =	sne.s32 s2, $0x0  }
0xd9: {  	s3 =	rddreg [dreg:$0x2];
	[bflag:$0x3] =	sbarrier.arrive $0xFFFF;
	s2 =	simm.s32 @!p0 $0x1C03  }
0xda: {  	[timem:s3], [sflag:s2] =	dma.local @!p0 [hbm:s0], s1  }
0xdb: {  	s0 =	simm.s32 @!p0 $0x3  }
0xdc: {  	_ =	swait.ge @!p0 [sflag:s0], s1  }
0xdd: {  	s1 =	ssub.s32 @!p0 $0x0, s1;
	[sflag:s0] =	ssyncset.done @!p0 $0x0  }
0xde: {  	[sflag:s0] =	ssyncadd.s32 @!p0 s1  }
0xdf: {  	[bflag:$0x3] =	sbarrier.arrive $0xFFFF  }
0xe0: {  	_ =	shalt  }

</sc_bundles>
